<compile_context>
chip_gen: v7x
topology: tpu7x:2x2x1
jax: 0.10.2.dev20260603
libtpu: 0.0.44.dev20260713+nightly
codegen_flags: <defaults>
</compile_context>

<pallas_src>
import functools

import jax
import jax.numpy as jnp
from jax import lax
from jax.experimental import pallas as pl
from jax.experimental.pallas import tpu as pltpu
from jax.experimental.pallas import tpu_sc as plsc

N = 10000
H = 128
E = 320000
NC = 2
NS = 16
NW = NC * NS
EW = E // NW
K = 128
PH = 2
PHW = EW // PH
FULL = PHW // K
TAIL = PHW - FULL * K
KD = 128
DFULL = EW // KD
DTAIL = EW - DFULL * KD
NBUF = 2
DEG_R = N + 2000

_mesh = plsc.VectorSubcoreMesh(
    core_axis_name="c", subcore_axis_name="s", num_cores=NC, num_subcores=NS)


@functools.partial(
    pl.kernel,
    out_type=jax.ShapeDtypeStruct((NC * N,), jnp.float32),
    mesh=_mesh,
    scratch_types=[
        pltpu.VMEM((EW,), jnp.int32),
        pltpu.VMEM((KD,), jnp.float32),
        pltpu.VMEM((2000,), jnp.float32),
        pltpu.VMEM_SHARED((DEG_R,), jnp.float32),
    ],
)
def _sc_degree(ei_hbm, ones_hbm, zeros_hbm, out_hbm,
               idx_v, ones_v, stage_v, deg_sh):
    c = lax.axis_index("c")
    s = lax.axis_index("s")
    wid = c * NS + s

    @pl.when(s == 0)
    def _():
        pltpu.sync_copy(zeros_hbm, stage_v)
        for t in range(DEG_R // 2000):
            pltpu.sync_copy(stage_v, deg_sh.at[pl.ds(t * 2000, 2000)])

    pltpu.sync_copy(ei_hbm.at[pl.ds(E + wid * EW, EW)], idx_v)
    pltpu.sync_copy(ones_hbm, ones_v)
    plsc.subcore_barrier()

    def body(j, carry):
        pltpu.sync_copy(ones_v, deg_sh.at[idx_v.at[pl.ds(j * KD, KD)]],
                        add=True)
        return carry

    lax.fori_loop(0, DFULL, body, 0)
    pltpu.sync_copy(ones_v.at[pl.ds(0, DTAIL)],
                    deg_sh.at[idx_v.at[pl.ds(DFULL * KD, DTAIL)]], add=True)
    plsc.subcore_barrier()

    @pl.when(s == 0)
    def _():
        for t in range(N // 2000):
            pltpu.sync_copy(deg_sh.at[pl.ds(t * 2000, 2000)], stage_v)
            pltpu.sync_copy(stage_v, out_hbm.at[pl.ds(c * N + t * 2000, 2000)])


@functools.partial(
    pl.kernel,
    out_type=jax.ShapeDtypeStruct((NC * N, H), jnp.float32),
    mesh=_mesh,
    scratch_types=[
        pltpu.VMEM((PHW,), jnp.int32),
        pltpu.VMEM((PHW,), jnp.int32),
        pltpu.VMEM((NBUF, K, H), jnp.float32),
        pltpu.VMEM_SHARED((N, H), jnp.float32),
        [pltpu.SemaphoreType.DMA] * NBUF,
    ],
)
def _sc_scatter(y_hbm, ei_hbm, zrows_hbm, out_hbm,
                src_v, dst_v, rows_v, acc_sh, gsems):
    c = lax.axis_index("c")
    s = lax.axis_index("s")
    wid = c * NS + s

    @pl.when(s < NS - 1)
    def _():
        pltpu.sync_copy(zrows_hbm, acc_sh.at[pl.ds(s * 632, 632)])

    @pl.when(s == NS - 1)
    def _():
        pltpu.sync_copy(zrows_hbm.at[pl.ds(0, 520)],
                        acc_sh.at[pl.ds(15 * 632, 520)])

    plsc.subcore_barrier()

    def _gather(m, slot):
        pltpu.async_copy(y_hbm.at[src_v.at[pl.ds(m * K, K)]],
                         rows_v.at[slot], gsems[slot])

    def _gwait(m, slot):
        pltpu.make_async_copy(y_hbm.at[src_v.at[pl.ds(m * K, K)]],
                              rows_v.at[slot], gsems[slot]).wait()

    def _step(j, i, issue_next):
        _gwait(j, i)
        pltpu.sync_copy(rows_v.at[i],
                        acc_sh.at[dst_v.at[pl.ds(j * K, K)]], add=True)
        if issue_next:
            _gather(j + NBUF, i)

    for p in range(PH):
        base = (wid * PH + p) * PHW
        pltpu.sync_copy(ei_hbm.at[pl.ds(base, PHW)], src_v)
        pltpu.sync_copy(ei_hbm.at[pl.ds(E + base, PHW)], dst_v)
        for i in range(NBUF):
            _gather(i, i)

        def body(g, carry):
            for i in range(NBUF):
                _step(g * NBUF + i, i, True)
            return carry

        n_main = (FULL - 3) // NBUF
        lax.fori_loop(0, n_main, body, 0)
        for j in range(n_main * NBUF, FULL):
            _step(j, j % NBUF, j + NBUF < FULL)
        pltpu.async_copy(y_hbm.at[src_v.at[pl.ds(FULL * K, TAIL)]],
                         rows_v.at[0, pl.ds(0, TAIL)], gsems[0]).wait()
        pltpu.sync_copy(rows_v.at[0, pl.ds(0, TAIL)],
                        acc_sh.at[dst_v.at[pl.ds(FULL * K, TAIL)]], add=True)
    plsc.subcore_barrier()

    @pl.when(s < NS - 1)
    def _():
        pltpu.sync_copy(acc_sh.at[pl.ds(s * 632, 632)],
                        out_hbm.at[pl.ds(c * N + s * 632, 632)])

    @pl.when(s == NS - 1)
    def _():
        pltpu.sync_copy(acc_sh.at[pl.ds(15 * 632, 520)],
                        out_hbm.at[pl.ds(c * N + 15 * 632, 520)])


BR = 2000


def _tc_prescale_body(x_ref, w_ref, b_ref, d0_ref, d1_ref,
                      y_ref, r_ref, dis_ref):
    xw = jnp.dot(x_ref[...], w_ref[...], preferred_element_type=jnp.float32)
    degt = d0_ref[...] + d1_ref[...] + 1.0
    dis = lax.rsqrt(degt)
    y_ref[...] = xw * dis
    r_ref[...] = xw / degt + x_ref[...] + b_ref[...]
    dis_ref[...] = dis


def _tc_prescale(x, W, b2, deg2):
    grid = (N // BR,)
    return pl.pallas_call(
        _tc_prescale_body,
        grid=grid,
        in_specs=[
            pl.BlockSpec((BR, H), lambda i: (i, 0)),
            pl.BlockSpec((H, H), lambda i: (0, 0)),
            pl.BlockSpec((1, H), lambda i: (0, 0)),
            pl.BlockSpec((BR, 1), lambda i: (i, 0)),
            pl.BlockSpec((BR, 1), lambda i: (N // BR + i, 0)),
        ],
        out_specs=[
            pl.BlockSpec((BR, H), lambda i: (i, 0)),
            pl.BlockSpec((BR, H), lambda i: (i, 0)),
            pl.BlockSpec((BR, 1), lambda i: (i, 0)),
        ],
        out_shape=[
            jax.ShapeDtypeStruct((N, H), jnp.float32),
            jax.ShapeDtypeStruct((N, H), jnp.float32),
            jax.ShapeDtypeStruct((N, 1), jnp.float32),
        ],
    )(x, W, b2, deg2, deg2)


def _tc_finish_body(p0_ref, p1_ref, r_ref, dis_ref, o_ref):
    h = dis_ref[...] * (p0_ref[...] + p1_ref[...]) + r_ref[...]
    mean = jnp.mean(h, axis=1, keepdims=True)
    cent = h - mean
    var = jnp.mean(cent * cent, axis=1, keepdims=True)
    o_ref[...] = cent * lax.rsqrt(var + 1e-5)


def _tc_finish(acc, r, dis):
    grid = (N // BR,)
    return pl.pallas_call(
        _tc_finish_body,
        grid=grid,
        in_specs=[
            pl.BlockSpec((BR, H), lambda i: (i, 0)),
            pl.BlockSpec((BR, H), lambda i: (N // BR + i, 0)),
            pl.BlockSpec((BR, H), lambda i: (i, 0)),
            pl.BlockSpec((BR, 1), lambda i: (i, 0)),
        ],
        out_specs=pl.BlockSpec((BR, H), lambda i: (i, 0)),
        out_shape=jax.ShapeDtypeStruct((N, H), jnp.float32),
    )(acc, acc, r, dis)


def kernel(x, edge_index, batch, W, b):
    ei = edge_index.astype(jnp.int32).reshape(2 * E)

    ones_k = jnp.ones((KD,), jnp.float32)
    zeros_2k = jnp.zeros((2000,), jnp.float32)
    zrows = jnp.zeros((632, H), jnp.float32)

    deg = _sc_degree(ei, ones_k, zeros_2k)

    y, r, dis = _tc_prescale(x, W, b.reshape(1, H), deg.reshape(NC * N, 1))

    acc = _sc_scatter(y, ei, zrows)

    return _tc_finish(acc, r, dis)

# --- scband reference (transcript-rebuilt; emitter-appended) ---
"""Pipeline reference for scband-encoder2-18734647345438 (READ-ONLY COPY).

The authoritative reference and input builder live on the scoring server;
editing this copy changes nothing except your own understanding.
"""

import jax, jax.numpy as jnp
import numpy as np

N_NODES = 10000
N_EDGES = 320000
HIDDEN = 128

def setup_inputs(seed: int = 0) -> dict:
    key = jax.random.key(seed)
    k1, k2, k3, k4, k5 = jax.random.split(key, 5)
    x = jax.random.normal(k1, (N_NODES, HIDDEN), dtype=jnp.float32)
    edge_index = jax.random.randint(k2, (2, N_EDGES), 0, N_NODES, dtype=jnp.int64)
    batch = jnp.sort(jax.random.randint(k3, (N_NODES,), 0, 16, dtype=jnp.int64))
    # GCNConv parameters: weight [in, out] (glorot-ish), bias [out]
    W = jax.random.normal(k4, (HIDDEN, HIDDEN), dtype=jnp.float32) * (1.0 / np.sqrt(HIDDEN))
    b = jnp.zeros((HIDDEN,), dtype=jnp.float32)
    return {"x": x, "edge_index": edge_index, "batch": batch, "W": W, "b": b}

def _gcn_conv(x, edge_index, W, b):
    N = x.shape[0]
    src = edge_index[0]
    dst = edge_index[1]
    # add self-loops (PyG default add_self_loops=True)
    loop = jnp.arange(N, dtype=src.dtype)
    src = jnp.concatenate([src, loop])
    dst = jnp.concatenate([dst, loop])
    xw = x @ W
    # symmetric normalization: deg computed on destination (col) with unit edge weights
    deg = jnp.zeros((N,), dtype=x.dtype).at[dst].add(1.0)
    deg_inv_sqrt = jnp.where(deg > 0, jax.lax.rsqrt(jnp.maximum(deg, 1e-12)), 0.0)
    norm = deg_inv_sqrt[src] * deg_inv_sqrt[dst]
    msg = xw[src] * norm[:, None]
    out = jnp.zeros_like(xw).at[dst].add(msg)
    return out + b

def _layernorm_noaffine(h, eps=1e-5):
    mean = jnp.mean(h, axis=-1, keepdims=True)
    var = jnp.mean((h - mean) ** 2, axis=-1, keepdims=True)
    return (h - mean) / jnp.sqrt(var + eps)

def reference(x, edge_index, batch, W, b):
    x1 = _gcn_conv(x, edge_index, W, b)
    out = _layernorm_noaffine(x1 + x)
    return out

if __name__ == "__main__":
    import jax
    _d = setup_inputs()
    print(jax.jit(kernel)(*tuple(_d.values())))

</pallas_src>

<mosaic_0001>
#map = affine_map<(d0, d1) -> (0)>
module attributes {stable_mosaic.version = 14 : i64} {
  func.func @_sc_degree(%arg0: i32, %arg1: i32, %arg2: memref<640000xi32, #tpu.memory_space<hbm>>, %arg3: memref<128xf32, #tpu.memory_space<hbm>>, %arg4: memref<2000xf32, #tpu.memory_space<hbm>>, %arg5: memref<20000xf32, #tpu.memory_space<hbm>>, %arg6: memref<10000xi32, #tpu.memory_space<vmem>>, %arg7: memref<128xf32, #tpu.memory_space<vmem>>, %arg8: memref<2000xf32, #tpu.memory_space<vmem>>, %arg9: memref<12000xf32, #tpu.memory_space<vmem_shared>>) attributes {dimension_semantics = [#tpu.dimension_semantics<core_parallel>, #tpu.dimension_semantics<subcore_parallel>], iteration_bounds = array<i64: 2, 16>, scalar_prefetch = 0 : i64, scratch_operands = 4 : i64, tpu.core_type = #tpu.core_type<sc_vector_subcore>, window_params = [{transform_indices = #map}, {transform_indices = #map}, {transform_indices = #map}, {transform_indices = #map}]} {
    %mul3A = arith.constant 16 : i32
    %mul3A_0 = arith.muli %arg0, %mul3A : i32
    %add3A = arith.addi %mul3A_0, %arg1 : i32
    %eq3A = arith.constant 0 : i32
    %eq3A_1 = arith.cmpi eq, %arg1, %eq3A : i32
    %convert_element_type3A = arith.extui %eq3A_1 : i1 to i32
    %cond3A = arith.constant 0 : i32
    %cond3A_2 = arith.cmpi ne, %convert_element_type3A, %cond3A : i32
    scf.if %cond3A_2 {
      "tpu.region"() ({
        %run_scoped3A = tpu.sem_alloc : memref<!tpu.dma_semaphore, #tpu.memory_space<semaphore_mem>>
        tpu.enqueue_dma source(%arg4 : memref<2000xf32, #tpu.memory_space<hbm>>) target(%arg8 : memref<2000xf32, #tpu.memory_space<vmem>>) target_semaphore(%run_scoped3A : memref<!tpu.dma_semaphore, #tpu.memory_space<semaphore_mem>>)
        tpu.wait_dma2 semaphore(%run_scoped3A : memref<!tpu.dma_semaphore, #tpu.memory_space<semaphore_mem>>) src(%arg4 : memref<2000xf32, #tpu.memory_space<hbm>>) dst(%arg8 : memref<2000xf32, #tpu.memory_space<vmem>>)
        tpu.yield
      }) : () -> ()
      "tpu.region"() ({
        %run_scoped3A = tpu.sem_alloc : memref<!tpu.dma_semaphore, #tpu.memory_space<semaphore_mem>>
        %dma_start3A = arith.constant 0 : i32
        %dma_start3A_18 = tpu.memref_slice %arg9[%dma_start3A] : memref<12000xf32, #tpu.memory_space<vmem_shared>> -> memref<2000xf32, #tpu.memory_space<vmem_shared>>
        %dma_start3A_19 = arith.constant 0 : i32
        %dma_start3A_20 = tpu.memref_slice %arg9[%dma_start3A_19] : memref<12000xf32, #tpu.memory_space<vmem_shared>> -> memref<2000xf32, #tpu.memory_space<vmem_shared>>
        tpu.enqueue_dma source(%arg8 : memref<2000xf32, #tpu.memory_space<vmem>>) target(%dma_start3A_20 : memref<2000xf32, #tpu.memory_space<vmem_shared>>) target_semaphore(%run_scoped3A : memref<!tpu.dma_semaphore, #tpu.memory_space<semaphore_mem>>)
        %dma_wait3A = arith.constant 0 : i32
        %dma_wait3A_21 = tpu.memref_slice %arg9[%dma_wait3A] : memref<12000xf32, #tpu.memory_space<vmem_shared>> -> memref<2000xf32, #tpu.memory_space<vmem_shared>>
        %dma_wait3A_22 = arith.constant 0 : i32
        %dma_wait3A_23 = tpu.memref_slice %arg9[%dma_wait3A_22] : memref<12000xf32, #tpu.memory_space<vmem_shared>> -> memref<2000xf32, #tpu.memory_space<vmem_shared>>
        tpu.wait_dma2 semaphore(%run_scoped3A : memref<!tpu.dma_semaphore, #tpu.memory_space<semaphore_mem>>) src(%arg8 : memref<2000xf32, #tpu.memory_space<vmem>>) dst(%dma_wait3A_23 : memref<2000xf32, #tpu.memory_space<vmem_shared>>)
        tpu.yield
      }) : () -> ()
      "tpu.region"() ({
        %run_scoped3A = tpu.sem_alloc : memref<!tpu.dma_semaphore, #tpu.memory_space<semaphore_mem>>
        %dma_start3A = arith.constant 2000 : i32
        %dma_start3A_18 = tpu.memref_slice %arg9[%dma_start3A] : memref<12000xf32, #tpu.memory_space<vmem_shared>> -> memref<2000xf32, #tpu.memory_space<vmem_shared>>
        %dma_start3A_19 = arith.constant 2000 : i32
        %dma_start3A_20 = tpu.memref_slice %arg9[%dma_start3A_19] : memref<12000xf32, #tpu.memory_space<vmem_shared>> -> memref<2000xf32, #tpu.memory_space<vmem_shared>>
        tpu.enqueue_dma source(%arg8 : memref<2000xf32, #tpu.memory_space<vmem>>) target(%dma_start3A_20 : memref<2000xf32, #tpu.memory_space<vmem_shared>>) target_semaphore(%run_scoped3A : memref<!tpu.dma_semaphore, #tpu.memory_space<semaphore_mem>>)
        %dma_wait3A = arith.constant 2000 : i32
        %dma_wait3A_21 = tpu.memref_slice %arg9[%dma_wait3A] : memref<12000xf32, #tpu.memory_space<vmem_shared>> -> memref<2000xf32, #tpu.memory_space<vmem_shared>>
        %dma_wait3A_22 = arith.constant 2000 : i32
        %dma_wait3A_23 = tpu.memref_slice %arg9[%dma_wait3A_22] : memref<12000xf32, #tpu.memory_space<vmem_shared>> -> memref<2000xf32, #tpu.memory_space<vmem_shared>>
        tpu.wait_dma2 semaphore(%run_scoped3A : memref<!tpu.dma_semaphore, #tpu.memory_space<semaphore_mem>>) src(%arg8 : memref<2000xf32, #tpu.memory_space<vmem>>) dst(%dma_wait3A_23 : memref<2000xf32, #tpu.memory_space<vmem_shared>>)
        tpu.yield
      }) : () -> ()
      "tpu.region"() ({
        %run_scoped3A = tpu.sem_alloc : memref<!tpu.dma_semaphore, #tpu.memory_space<semaphore_mem>>
        %dma_start3A = arith.constant 4000 : i32
        %dma_start3A_18 = tpu.memref_slice %arg9[%dma_start3A] : memref<12000xf32, #tpu.memory_space<vmem_shared>> -> memref<2000xf32, #tpu.memory_space<vmem_shared>>
        %dma_start3A_19 = arith.constant 4000 : i32
        %dma_start3A_20 = tpu.memref_slice %arg9[%dma_start3A_19] : memref<12000xf32, #tpu.memory_space<vmem_shared>> -> memref<2000xf32, #tpu.memory_space<vmem_shared>>
        tpu.enqueue_dma source(%arg8 : memref<2000xf32, #tpu.memory_space<vmem>>) target(%dma_start3A_20 : memref<2000xf32, #tpu.memory_space<vmem_shared>>) target_semaphore(%run_scoped3A : memref<!tpu.dma_semaphore, #tpu.memory_space<semaphore_mem>>)
        %dma_wait3A = arith.constant 4000 : i32
        %dma_wait3A_21 = tpu.memref_slice %arg9[%dma_wait3A] : memref<12000xf32, #tpu.memory_space<vmem_shared>> -> memref<2000xf32, #tpu.memory_space<vmem_shared>>
        %dma_wait3A_22 = arith.constant 4000 : i32
        %dma_wait3A_23 = tpu.memref_slice %arg9[%dma_wait3A_22] : memref<12000xf32, #tpu.memory_space<vmem_shared>> -> memref<2000xf32, #tpu.memory_space<vmem_shared>>
        tpu.wait_dma2 semaphore(%run_scoped3A : memref<!tpu.dma_semaphore, #tpu.memory_space<semaphore_mem>>) src(%arg8 : memref<2000xf32, #tpu.memory_space<vmem>>) dst(%dma_wait3A_23 : memref<2000xf32, #tpu.memory_space<vmem_shared>>)
        tpu.yield
      }) : () -> ()
      "tpu.region"() ({
        %run_scoped3A = tpu.sem_alloc : memref<!tpu.dma_semaphore, #tpu.memory_space<semaphore_mem>>
        %dma_start3A = arith.constant 6000 : i32
        %dma_start3A_18 = tpu.memref_slice %arg9[%dma_start3A] : memref<12000xf32, #tpu.memory_space<vmem_shared>> -> memref<2000xf32, #tpu.memory_space<vmem_shared>>
        %dma_start3A_19 = arith.constant 6000 : i32
        %dma_start3A_20 = tpu.memref_slice %arg9[%dma_start3A_19] : memref<12000xf32, #tpu.memory_space<vmem_shared>> -> memref<2000xf32, #tpu.memory_space<vmem_shared>>
        tpu.enqueue_dma source(%arg8 : memref<2000xf32, #tpu.memory_space<vmem>>) target(%dma_start3A_20 : memref<2000xf32, #tpu.memory_space<vmem_shared>>) target_semaphore(%run_scoped3A : memref<!tpu.dma_semaphore, #tpu.memory_space<semaphore_mem>>)
        %dma_wait3A = arith.constant 6000 : i32
        %dma_wait3A_21 = tpu.memref_slice %arg9[%dma_wait3A] : memref<12000xf32, #tpu.memory_space<vmem_shared>> -> memref<2000xf32, #tpu.memory_space<vmem_shared>>
        %dma_wait3A_22 = arith.constant 6000 : i32
        %dma_wait3A_23 = tpu.memref_slice %arg9[%dma_wait3A_22] : memref<12000xf32, #tpu.memory_space<vmem_shared>> -> memref<2000xf32, #tpu.memory_space<vmem_shared>>
        tpu.wait_dma2 semaphore(%run_scoped3A : memref<!tpu.dma_semaphore, #tpu.memory_space<semaphore_mem>>) src(%arg8 : memref<2000xf32, #tpu.memory_space<vmem>>) dst(%dma_wait3A_23 : memref<2000xf32, #tpu.memory_space<vmem_shared>>)
        tpu.yield
      }) : () -> ()
      "tpu.region"() ({
        %run_scoped3A = tpu.sem_alloc : memref<!tpu.dma_semaphore, #tpu.memory_space<semaphore_mem>>
        %dma_start3A = arith.constant 8000 : i32
        %dma_start3A_18 = tpu.memref_slice %arg9[%dma_start3A] : memref<12000xf32, #tpu.memory_space<vmem_shared>> -> memref<2000xf32, #tpu.memory_space<vmem_shared>>
        %dma_start3A_19 = arith.constant 8000 : i32
        %dma_start3A_20 = tpu.memref_slice %arg9[%dma_start3A_19] : memref<12000xf32, #tpu.memory_space<vmem_shared>> -> memref<2000xf32, #tpu.memory_space<vmem_shared>>
        tpu.enqueue_dma source(%arg8 : memref<2000xf32, #tpu.memory_space<vmem>>) target(%dma_start3A_20 : memref<2000xf32, #tpu.memory_space<vmem_shared>>) target_semaphore(%run_scoped3A : memref<!tpu.dma_semaphore, #tpu.memory_space<semaphore_mem>>)
        %dma_wait3A = arith.constant 8000 : i32
        %dma_wait3A_21 = tpu.memref_slice %arg9[%dma_wait3A] : memref<12000xf32, #tpu.memory_space<vmem_shared>> -> memref<2000xf32, #tpu.memory_space<vmem_shared>>
        %dma_wait3A_22 = arith.constant 8000 : i32
        %dma_wait3A_23 = tpu.memref_slice %arg9[%dma_wait3A_22] : memref<12000xf32, #tpu.memory_space<vmem_shared>> -> memref<2000xf32, #tpu.memory_space<vmem_shared>>
        tpu.wait_dma2 semaphore(%run_scoped3A : memref<!tpu.dma_semaphore, #tpu.memory_space<semaphore_mem>>) src(%arg8 : memref<2000xf32, #tpu.memory_space<vmem>>) dst(%dma_wait3A_23 : memref<2000xf32, #tpu.memory_space<vmem_shared>>)
        tpu.yield
      }) : () -> ()
      "tpu.region"() ({
        %run_scoped3A = tpu.sem_alloc : memref<!tpu.dma_semaphore, #tpu.memory_space<semaphore_mem>>
        %dma_start3A = arith.constant 10000 : i32
        %dma_start3A_18 = tpu.memref_slice %arg9[%dma_start3A] : memref<12000xf32, #tpu.memory_space<vmem_shared>> -> memref<2000xf32, #tpu.memory_space<vmem_shared>>
        %dma_start3A_19 = arith.constant 10000 : i32
        %dma_start3A_20 = tpu.memref_slice %arg9[%dma_start3A_19] : memref<12000xf32, #tpu.memory_space<vmem_shared>> -> memref<2000xf32, #tpu.memory_space<vmem_shared>>
        tpu.enqueue_dma source(%arg8 : memref<2000xf32, #tpu.memory_space<vmem>>) target(%dma_start3A_20 : memref<2000xf32, #tpu.memory_space<vmem_shared>>) target_semaphore(%run_scoped3A : memref<!tpu.dma_semaphore, #tpu.memory_space<semaphore_mem>>)
        %dma_wait3A = arith.constant 10000 : i32
        %dma_wait3A_21 = tpu.memref_slice %arg9[%dma_wait3A] : memref<12000xf32, #tpu.memory_space<vmem_shared>> -> memref<2000xf32, #tpu.memory_space<vmem_shared>>
        %dma_wait3A_22 = arith.constant 10000 : i32
        %dma_wait3A_23 = tpu.memref_slice %arg9[%dma_wait3A_22] : memref<12000xf32, #tpu.memory_space<vmem_shared>> -> memref<2000xf32, #tpu.memory_space<vmem_shared>>
        tpu.wait_dma2 semaphore(%run_scoped3A : memref<!tpu.dma_semaphore, #tpu.memory_space<semaphore_mem>>) src(%arg8 : memref<2000xf32, #tpu.memory_space<vmem>>) dst(%dma_wait3A_23 : memref<2000xf32, #tpu.memory_space<vmem_shared>>)
        tpu.yield
      }) : () -> ()
    } else {
    }
    %mul3A_3 = arith.constant 10000 : i32
    %mul3A_4 = arith.muli %add3A, %mul3A_3 : i32
    %add3A_5 = arith.constant 320000 : i32
    %add3A_6 = arith.addi %add3A_5, %mul3A_4 : i32
    "tpu.region"() ({
      %run_scoped3A = tpu.sem_alloc : memref<!tpu.dma_semaphore, #tpu.memory_space<semaphore_mem>>
      %dma_start3A = tpu.memref_slice %arg2[%add3A_6] : memref<640000xi32, #tpu.memory_space<hbm>> -> memref<10000xi32, #tpu.memory_space<hbm>>
      %dma_start3A_18 = tpu.memref_slice %arg2[%add3A_6] : memref<640000xi32, #tpu.memory_space<hbm>> -> memref<10000xi32, #tpu.memory_space<hbm>>
      tpu.enqueue_dma source(%dma_start3A_18 : memref<10000xi32, #tpu.memory_space<hbm>>) target(%arg6 : memref<10000xi32, #tpu.memory_space<vmem>>) target_semaphore(%run_scoped3A : memref<!tpu.dma_semaphore, #tpu.memory_space<semaphore_mem>>)
      %dma_wait3A = tpu.memref_slice %arg2[%add3A_6] : memref<640000xi32, #tpu.memory_space<hbm>> -> memref<10000xi32, #tpu.memory_space<hbm>>
      %dma_wait3A_19 = tpu.memref_slice %arg2[%add3A_6] : memref<640000xi32, #tpu.memory_space<hbm>> -> memref<10000xi32, #tpu.memory_space<hbm>>
      tpu.wait_dma2 semaphore(%run_scoped3A : memref<!tpu.dma_semaphore, #tpu.memory_space<semaphore_mem>>) src(%dma_wait3A_19 : memref<10000xi32, #tpu.memory_space<hbm>>) dst(%arg6 : memref<10000xi32, #tpu.memory_space<vmem>>)
      tpu.yield
    }) : () -> ()
    "tpu.region"() ({
      %run_scoped3A = tpu.sem_alloc : memref<!tpu.dma_semaphore, #tpu.memory_space<semaphore_mem>>
      tpu.enqueue_dma source(%arg3 : memref<128xf32, #tpu.memory_space<hbm>>) target(%arg7 : memref<128xf32, #tpu.memory_space<vmem>>) target_semaphore(%run_scoped3A : memref<!tpu.dma_semaphore, #tpu.memory_space<semaphore_mem>>)
      tpu.wait_dma2 semaphore(%run_scoped3A : memref<!tpu.dma_semaphore, #tpu.memory_space<semaphore_mem>>) src(%arg3 : memref<128xf32, #tpu.memory_space<hbm>>) dst(%arg7 : memref<128xf32, #tpu.memory_space<vmem>>)
      tpu.yield
    }) : () -> ()
    %barrier3A = arith.constant 0 : index
    tpu.barrier barrier_id(%barrier3A)
    %scan3A = arith.constant 0 : i32
    %scan3A_7 = arith.constant 0 : i32
    %scan3A_8 = arith.constant 78 : i32
    %scan3A_9 = arith.addi %scan3A_7, %scan3A_8 : i32
    %scan3A_10 = arith.constant 1 : i32
    scf.for %scan3A_18 = %scan3A_7 to %scan3A_9 step %scan3A_10  : i32 {
      %mul3A_19 = arith.constant 128 : i32
      %mul3A_20 = arith.muli %scan3A_18, %mul3A_19 : i32
      "tpu.region"() ({
        %run_scoped3A = tpu.sem_alloc : memref<!tpu.dma_semaphore, #tpu.memory_space<semaphore_mem>>
        %dma_start3A = tpu.memref_slice %arg6[%mul3A_20] : memref<10000xi32, #tpu.memory_space<vmem>> -> memref<128xi32, #tpu.memory_space<vmem>>
        %dma_start3A_21 = arith.constant 0 : i32
        %dma_start3A_22 = tpu.memref_slice %arg9[%dma_start3A_21] : memref<12000xf32, #tpu.memory_space<vmem_shared>> -> memref<12000xf32, #tpu.memory_space<vmem_shared>>
        tpu.enqueue_indirect_dma source(%arg7 : memref<128xf32, #tpu.memory_space<vmem>>) target(%dma_start3A_22 : memref<12000xf32, #tpu.memory_space<vmem_shared>>) offsets(%dma_start3A : memref<128xi32, #tpu.memory_space<vmem>>) semaphore(%run_scoped3A : memref<!tpu.dma_semaphore, #tpu.memory_space<semaphore_mem>>) {add = true}
        %dma_wait3A = tpu.memref_slice %arg6[%mul3A_20] : memref<10000xi32, #tpu.memory_space<vmem>> -> memref<128xi32, #tpu.memory_space<vmem>>
        %dma_wait3A_23 = arith.constant 0 : i32
        %dma_wait3A_24 = tpu.memref_slice %arg9[%dma_wait3A_23] : memref<12000xf32, #tpu.memory_space<vmem_shared>> -> memref<12000xf32, #tpu.memory_space<vmem_shared>>
        tpu.wait_indirect_dma semaphore(%run_scoped3A : memref<!tpu.dma_semaphore, #tpu.memory_space<semaphore_mem>>) src(%arg7 : memref<128xf32, #tpu.memory_space<vmem>>) dst(%dma_wait3A_24 : memref<12000xf32, #tpu.memory_space<vmem_shared>>)
        tpu.yield
      }) : () -> ()
    }
    %scan3A_11 = arith.constant 78 : i32
    "tpu.region"() ({
      %run_scoped3A = tpu.sem_alloc : memref<!tpu.dma_semaphore, #tpu.memory_space<semaphore_mem>>
      %dma_start3A = arith.constant 0 : i32
      %dma_start3A_18 = tpu.memref_slice %arg7[%dma_start3A] : memref<128xf32, #tpu.memory_space<vmem>> -> memref<16xf32, #tpu.memory_space<vmem>>
      %dma_start3A_19 = arith.constant 9984 : i32
      %dma_start3A_20 = tpu.memref_slice %arg6[%dma_start3A_19] : memref<10000xi32, #tpu.memory_space<vmem>> -> memref<16xi32, #tpu.memory_space<vmem>>
      %dma_start3A_21 = arith.constant 0 : i32
      %dma_start3A_22 = tpu.memref_slice %arg9[%dma_start3A_21] : memref<12000xf32, #tpu.memory_space<vmem_shared>> -> memref<12000xf32, #tpu.memory_space<vmem_shared>>
      tpu.enqueue_indirect_dma source(%dma_start3A_18 : memref<16xf32, #tpu.memory_space<vmem>>) target(%dma_start3A_22 : memref<12000xf32, #tpu.memory_space<vmem_shared>>) offsets(%dma_start3A_20 : memref<16xi32, #tpu.memory_space<vmem>>) semaphore(%run_scoped3A : memref<!tpu.dma_semaphore, #tpu.memory_space<semaphore_mem>>) {add = true}
      %dma_wait3A = arith.constant 0 : i32
      %dma_wait3A_23 = tpu.memref_slice %arg7[%dma_wait3A] : memref<128xf32, #tpu.memory_space<vmem>> -> memref<16xf32, #tpu.memory_space<vmem>>
      %dma_wait3A_24 = arith.constant 9984 : i32
      %dma_wait3A_25 = tpu.memref_slice %arg6[%dma_wait3A_24] : memref<10000xi32, #tpu.memory_space<vmem>> -> memref<16xi32, #tpu.memory_space<vmem>>
      %dma_wait3A_26 = arith.constant 0 : i32
      %dma_wait3A_27 = tpu.memref_slice %arg9[%dma_wait3A_26] : memref<12000xf32, #tpu.memory_space<vmem_shared>> -> memref<12000xf32, #tpu.memory_space<vmem_shared>>
      tpu.wait_indirect_dma semaphore(%run_scoped3A : memref<!tpu.dma_semaphore, #tpu.memory_space<semaphore_mem>>) src(%dma_wait3A_23 : memref<16xf32, #tpu.memory_space<vmem>>) dst(%dma_wait3A_27 : memref<12000xf32, #tpu.memory_space<vmem_shared>>)
      tpu.yield
    }) : () -> ()
    %barrier3A_12 = arith.constant 0 : index
    tpu.barrier barrier_id(%barrier3A_12)
    %eq3A_13 = arith.constant 0 : i32
    %eq3A_14 = arith.cmpi eq, %arg1, %eq3A_13 : i32
    %convert_element_type3A_15 = arith.extui %eq3A_14 : i1 to i32
    %cond3A_16 = arith.constant 0 : i32
    %cond3A_17 = arith.cmpi ne, %convert_element_type3A_15, %cond3A_16 : i32
    scf.if %cond3A_17 {
      "tpu.region"() ({
        %run_scoped3A = tpu.sem_alloc : memref<!tpu.dma_semaphore, #tpu.memory_space<semaphore_mem>>
        %dma_start3A = arith.constant 0 : i32
        %dma_start3A_38 = tpu.memref_slice %arg9[%dma_start3A] : memref<12000xf32, #tpu.memory_space<vmem_shared>> -> memref<2000xf32, #tpu.memory_space<vmem_shared>>
        %dma_start3A_39 = arith.constant 0 : i32
        %dma_start3A_40 = tpu.memref_slice %arg9[%dma_start3A_39] : memref<12000xf32, #tpu.memory_space<vmem_shared>> -> memref<2000xf32, #tpu.memory_space<vmem_shared>>
        tpu.enqueue_dma source(%dma_start3A_40 : memref<2000xf32, #tpu.memory_space<vmem_shared>>) target(%arg8 : memref<2000xf32, #tpu.memory_space<vmem>>) target_semaphore(%run_scoped3A : memref<!tpu.dma_semaphore, #tpu.memory_space<semaphore_mem>>)
        %dma_wait3A = arith.constant 0 : i32
        %dma_wait3A_41 = tpu.memref_slice %arg9[%dma_wait3A] : memref<12000xf32, #tpu.memory_space<vmem_shared>> -> memref<2000xf32, #tpu.memory_space<vmem_shared>>
        %dma_wait3A_42 = arith.constant 0 : i32
        %dma_wait3A_43 = tpu.memref_slice %arg9[%dma_wait3A_42] : memref<12000xf32, #tpu.memory_space<vmem_shared>> -> memref<2000xf32, #tpu.memory_space<vmem_shared>>
        tpu.wait_dma2 semaphore(%run_scoped3A : memref<!tpu.dma_semaphore, #tpu.memory_space<semaphore_mem>>) src(%dma_wait3A_43 : memref<2000xf32, #tpu.memory_space<vmem_shared>>) dst(%arg8 : memref<2000xf32, #tpu.memory_space<vmem>>)
        tpu.yield
      }) : () -> ()
      %mul3A_18 = arith.constant 10000 : i32
      %mul3A_19 = arith.muli %arg0, %mul3A_18 : i32
      %add3A_20 = arith.constant 0 : i32
      %add3A_21 = arith.addi %mul3A_19, %add3A_20 : i32
      "tpu.region"() ({
        %run_scoped3A = tpu.sem_alloc : memref<!tpu.dma_semaphore, #tpu.memory_space<semaphore_mem>>
        %dma_start3A = tpu.memref_slice %arg5[%add3A_21] : memref<20000xf32, #tpu.memory_space<hbm>> -> memref<2000xf32, #tpu.memory_space<hbm>>
        %dma_start3A_38 = tpu.memref_slice %arg5[%add3A_21] : memref<20000xf32, #tpu.memory_space<hbm>> -> memref<2000xf32, #tpu.memory_space<hbm>>
        tpu.enqueue_dma source(%arg8 : memref<2000xf32, #tpu.memory_space<vmem>>) target(%dma_start3A_38 : memref<2000xf32, #tpu.memory_space<hbm>>) target_semaphore(%run_scoped3A : memref<!tpu.dma_semaphore, #tpu.memory_space<semaphore_mem>>)
        %dma_wait3A = tpu.memref_slice %arg5[%add3A_21] : memref<20000xf32, #tpu.memory_space<hbm>> -> memref<2000xf32, #tpu.memory_space<hbm>>
        %dma_wait3A_39 = tpu.memref_slice %arg5[%add3A_21] : memref<20000xf32, #tpu.memory_space<hbm>> -> memref<2000xf32, #tpu.memory_space<hbm>>
        tpu.wait_dma2 semaphore(%run_scoped3A : memref<!tpu.dma_semaphore, #tpu.memory_space<semaphore_mem>>) src(%arg8 : memref<2000xf32, #tpu.memory_space<vmem>>) dst(%dma_wait3A_39 : memref<2000xf32, #tpu.memory_space<hbm>>)
        tpu.yield
      }) : () -> ()
      "tpu.region"() ({
        %run_scoped3A = tpu.sem_alloc : memref<!tpu.dma_semaphore, #tpu.memory_space<semaphore_mem>>
        %dma_start3A = arith.constant 2000 : i32
        %dma_start3A_38 = tpu.memref_slice %arg9[%dma_start3A] : memref<12000xf32, #tpu.memory_space<vmem_shared>> -> memref<2000xf32, #tpu.memory_space<vmem_shared>>
        %dma_start3A_39 = arith.constant 2000 : i32
        %dma_start3A_40 = tpu.memref_slice %arg9[%dma_start3A_39] : memref<12000xf32, #tpu.memory_space<vmem_shared>> -> memref<2000xf32, #tpu.memory_space<vmem_shared>>
        tpu.enqueue_dma source(%dma_start3A_40 : memref<2000xf32, #tpu.memory_space<vmem_shared>>) target(%arg8 : memref<2000xf32, #tpu.memory_space<vmem>>) target_semaphore(%run_scoped3A : memref<!tpu.dma_semaphore, #tpu.memory_space<semaphore_mem>>)
        %dma_wait3A = arith.constant 2000 : i32
        %dma_wait3A_41 = tpu.memref_slice %arg9[%dma_wait3A] : memref<12000xf32, #tpu.memory_space<vmem_shared>> -> memref<2000xf32, #tpu.memory_space<vmem_shared>>
        %dma_wait3A_42 = arith.constant 2000 : i32
        %dma_wait3A_43 = tpu.memref_slice %arg9[%dma_wait3A_42] : memref<12000xf32, #tpu.memory_space<vmem_shared>> -> memref<2000xf32, #tpu.memory_space<vmem_shared>>
        tpu.wait_dma2 semaphore(%run_scoped3A : memref<!tpu.dma_semaphore, #tpu.memory_space<semaphore_mem>>) src(%dma_wait3A_43 : memref<2000xf32, #tpu.memory_space<vmem_shared>>) dst(%arg8 : memref<2000xf32, #tpu.memory_space<vmem>>)
        tpu.yield
      }) : () -> ()
      %mul3A_22 = arith.constant 10000 : i32
      %mul3A_23 = arith.muli %arg0, %mul3A_22 : i32
      %add3A_24 = arith.constant 2000 : i32
      %add3A_25 = arith.addi %mul3A_23, %add3A_24 : i32
      "tpu.region"() ({
        %run_scoped3A = tpu.sem_alloc : memref<!tpu.dma_semaphore, #tpu.memory_space<semaphore_mem>>
        %dma_start3A = tpu.memref_slice %arg5[%add3A_25] : memref<20000xf32, #tpu.memory_space<hbm>> -> memref<2000xf32, #tpu.memory_space<hbm>>
        %dma_start3A_38 = tpu.memref_slice %arg5[%add3A_25] : memref<20000xf32, #tpu.memory_space<hbm>> -> memref<2000xf32, #tpu.memory_space<hbm>>
        tpu.enqueue_dma source(%arg8 : memref<2000xf32, #tpu.memory_space<vmem>>) target(%dma_start3A_38 : memref<2000xf32, #tpu.memory_space<hbm>>) target_semaphore(%run_scoped3A : memref<!tpu.dma_semaphore, #tpu.memory_space<semaphore_mem>>)
        %dma_wait3A = tpu.memref_slice %arg5[%add3A_25] : memref<20000xf32, #tpu.memory_space<hbm>> -> memref<2000xf32, #tpu.memory_space<hbm>>
        %dma_wait3A_39 = tpu.memref_slice %arg5[%add3A_25] : memref<20000xf32, #tpu.memory_space<hbm>> -> memref<2000xf32, #tpu.memory_space<hbm>>
        tpu.wait_dma2 semaphore(%run_scoped3A : memref<!tpu.dma_semaphore, #tpu.memory_space<semaphore_mem>>) src(%arg8 : memref<2000xf32, #tpu.memory_space<vmem>>) dst(%dma_wait3A_39 : memref<2000xf32, #tpu.memory_space<hbm>>)
        tpu.yield
      }) : () -> ()
      "tpu.region"() ({
        %run_scoped3A = tpu.sem_alloc : memref<!tpu.dma_semaphore, #tpu.memory_space<semaphore_mem>>
        %dma_start3A = arith.constant 4000 : i32
        %dma_start3A_38 = tpu.memref_slice %arg9[%dma_start3A] : memref<12000xf32, #tpu.memory_space<vmem_shared>> -> memref<2000xf32, #tpu.memory_space<vmem_shared>>
        %dma_start3A_39 = arith.constant 4000 : i32
        %dma_start3A_40 = tpu.memref_slice %arg9[%dma_start3A_39] : memref<12000xf32, #tpu.memory_space<vmem_shared>> -> memref<2000xf32, #tpu.memory_space<vmem_shared>>
        tpu.enqueue_dma source(%dma_start3A_40 : memref<2000xf32, #tpu.memory_space<vmem_shared>>) target(%arg8 : memref<2000xf32, #tpu.memory_space<vmem>>) target_semaphore(%run_scoped3A : memref<!tpu.dma_semaphore, #tpu.memory_space<semaphore_mem>>)
        %dma_wait3A = arith.constant 4000 : i32
        %dma_wait3A_41 = tpu.memref_slice %arg9[%dma_wait3A] : memref<12000xf32, #tpu.memory_space<vmem_shared>> -> memref<2000xf32, #tpu.memory_space<vmem_shared>>
        %dma_wait3A_42 = arith.constant 4000 : i32
        %dma_wait3A_43 = tpu.memref_slice %arg9[%dma_wait3A_42] : memref<12000xf32, #tpu.memory_space<vmem_shared>> -> memref<2000xf32, #tpu.memory_space<vmem_shared>>
        tpu.wait_dma2 semaphore(%run_scoped3A : memref<!tpu.dma_semaphore, #tpu.memory_space<semaphore_mem>>) src(%dma_wait3A_43 : memref<2000xf32, #tpu.memory_space<vmem_shared>>) dst(%arg8 : memref<2000xf32, #tpu.memory_space<vmem>>)
        tpu.yield
      }) : () -> ()
      %mul3A_26 = arith.constant 10000 : i32
      %mul3A_27 = arith.muli %arg0, %mul3A_26 : i32
      %add3A_28 = arith.constant 4000 : i32
      %add3A_29 = arith.addi %mul3A_27, %add3A_28 : i32
      "tpu.region"() ({
        %run_scoped3A = tpu.sem_alloc : memref<!tpu.dma_semaphore, #tpu.memory_space<semaphore_mem>>
        %dma_start3A = tpu.memref_slice %arg5[%add3A_29] : memref<20000xf32, #tpu.memory_space<hbm>> -> memref<2000xf32, #tpu.memory_space<hbm>>
        %dma_start3A_38 = tpu.memref_slice %arg5[%add3A_29] : memref<20000xf32, #tpu.memory_space<hbm>> -> memref<2000xf32, #tpu.memory_space<hbm>>
        tpu.enqueue_dma source(%arg8 : memref<2000xf32, #tpu.memory_space<vmem>>) target(%dma_start3A_38 : memref<2000xf32, #tpu.memory_space<hbm>>) target_semaphore(%run_scoped3A : memref<!tpu.dma_semaphore, #tpu.memory_space<semaphore_mem>>)
        %dma_wait3A = tpu.memref_slice %arg5[%add3A_29] : memref<20000xf32, #tpu.memory_space<hbm>> -> memref<2000xf32, #tpu.memory_space<hbm>>
        %dma_wait3A_39 = tpu.memref_slice %arg5[%add3A_29] : memref<20000xf32, #tpu.memory_space<hbm>> -> memref<2000xf32, #tpu.memory_space<hbm>>
        tpu.wait_dma2 semaphore(%run_scoped3A : memref<!tpu.dma_semaphore, #tpu.memory_space<semaphore_mem>>) src(%arg8 : memref<2000xf32, #tpu.memory_space<vmem>>) dst(%dma_wait3A_39 : memref<2000xf32, #tpu.memory_space<hbm>>)
        tpu.yield
      }) : () -> ()
      "tpu.region"() ({
        %run_scoped3A = tpu.sem_alloc : memref<!tpu.dma_semaphore, #tpu.memory_space<semaphore_mem>>
        %dma_start3A = arith.constant 6000 : i32
        %dma_start3A_38 = tpu.memref_slice %arg9[%dma_start3A] : memref<12000xf32, #tpu.memory_space<vmem_shared>> -> memref<2000xf32, #tpu.memory_space<vmem_shared>>
        %dma_start3A_39 = arith.constant 6000 : i32
        %dma_start3A_40 = tpu.memref_slice %arg9[%dma_start3A_39] : memref<12000xf32, #tpu.memory_space<vmem_shared>> -> memref<2000xf32, #tpu.memory_space<vmem_shared>>
        tpu.enqueue_dma source(%dma_start3A_40 : memref<2000xf32, #tpu.memory_space<vmem_shared>>) target(%arg8 : memref<2000xf32, #tpu.memory_space<vmem>>) target_semaphore(%run_scoped3A : memref<!tpu.dma_semaphore, #tpu.memory_space<semaphore_mem>>)
        %dma_wait3A = arith.constant 6000 : i32
        %dma_wait3A_41 = tpu.memref_slice %arg9[%dma_wait3A] : memref<12000xf32, #tpu.memory_space<vmem_shared>> -> memref<2000xf32, #tpu.memory_space<vmem_shared>>
        %dma_wait3A_42 = arith.constant 6000 : i32
        %dma_wait3A_43 = tpu.memref_slice %arg9[%dma_wait3A_42] : memref<12000xf32, #tpu.memory_space<vmem_shared>> -> memref<2000xf32, #tpu.memory_space<vmem_shared>>
        tpu.wait_dma2 semaphore(%run_scoped3A : memref<!tpu.dma_semaphore, #tpu.memory_space<semaphore_mem>>) src(%dma_wait3A_43 : memref<2000xf32, #tpu.memory_space<vmem_shared>>) dst(%arg8 : memref<2000xf32, #tpu.memory_space<vmem>>)
        tpu.yield
      }) : () -> ()
      %mul3A_30 = arith.constant 10000 : i32
      %mul3A_31 = arith.muli %arg0, %mul3A_30 : i32
      %add3A_32 = arith.constant 6000 : i32
      %add3A_33 = arith.addi %mul3A_31, %add3A_32 : i32
      "tpu.region"() ({
        %run_scoped3A = tpu.sem_alloc : memref<!tpu.dma_semaphore, #tpu.memory_space<semaphore_mem>>
        %dma_start3A = tpu.memref_slice %arg5[%add3A_33] : memref<20000xf32, #tpu.memory_space<hbm>> -> memref<2000xf32, #tpu.memory_space<hbm>>
        %dma_start3A_38 = tpu.memref_slice %arg5[%add3A_33] : memref<20000xf32, #tpu.memory_space<hbm>> -> memref<2000xf32, #tpu.memory_space<hbm>>
        tpu.enqueue_dma source(%arg8 : memref<2000xf32, #tpu.memory_space<vmem>>) target(%dma_start3A_38 : memref<2000xf32, #tpu.memory_space<hbm>>) target_semaphore(%run_scoped3A : memref<!tpu.dma_semaphore, #tpu.memory_space<semaphore_mem>>)
        %dma_wait3A = tpu.memref_slice %arg5[%add3A_33] : memref<20000xf32, #tpu.memory_space<hbm>> -> memref<2000xf32, #tpu.memory_space<hbm>>
        %dma_wait3A_39 = tpu.memref_slice %arg5[%add3A_33] : memref<20000xf32, #tpu.memory_space<hbm>> -> memref<2000xf32, #tpu.memory_space<hbm>>
        tpu.wait_dma2 semaphore(%run_scoped3A : memref<!tpu.dma_semaphore, #tpu.memory_space<semaphore_mem>>) src(%arg8 : memref<2000xf32, #tpu.memory_space<vmem>>) dst(%dma_wait3A_39 : memref<2000xf32, #tpu.memory_space<hbm>>)
        tpu.yield
      }) : () -> ()
      "tpu.region"() ({
        %run_scoped3A = tpu.sem_alloc : memref<!tpu.dma_semaphore, #tpu.memory_space<semaphore_mem>>
        %dma_start3A = arith.constant 8000 : i32
        %dma_start3A_38 = tpu.memref_slice %arg9[%dma_start3A] : memref<12000xf32, #tpu.memory_space<vmem_shared>> -> memref<2000xf32, #tpu.memory_space<vmem_shared>>
        %dma_start3A_39 = arith.constant 8000 : i32
        %dma_start3A_40 = tpu.memref_slice %arg9[%dma_start3A_39] : memref<12000xf32, #tpu.memory_space<vmem_shared>> -> memref<2000xf32, #tpu.memory_space<vmem_shared>>
        tpu.enqueue_dma source(%dma_start3A_40 : memref<2000xf32, #tpu.memory_space<vmem_shared>>) target(%arg8 : memref<2000xf32, #tpu.memory_space<vmem>>) target_semaphore(%run_scoped3A : memref<!tpu.dma_semaphore, #tpu.memory_space<semaphore_mem>>)
        %dma_wait3A = arith.constant 8000 : i32
        %dma_wait3A_41 = tpu.memref_slice %arg9[%dma_wait3A] : memref<12000xf32, #tpu.memory_space<vmem_shared>> -> memref<2000xf32, #tpu.memory_space<vmem_shared>>
        %dma_wait3A_42 = arith.constant 8000 : i32
        %dma_wait3A_43 = tpu.memref_slice %arg9[%dma_wait3A_42] : memref<12000xf32, #tpu.memory_space<vmem_shared>> -> memref<2000xf32, #tpu.memory_space<vmem_shared>>
        tpu.wait_dma2 semaphore(%run_scoped3A : memref<!tpu.dma_semaphore, #tpu.memory_space<semaphore_mem>>) src(%dma_wait3A_43 : memref<2000xf32, #tpu.memory_space<vmem_shared>>) dst(%arg8 : memref<2000xf32, #tpu.memory_space<vmem>>)
        tpu.yield
      }) : () -> ()
      %mul3A_34 = arith.constant 10000 : i32
      %mul3A_35 = arith.muli %arg0, %mul3A_34 : i32
      %add3A_36 = arith.constant 8000 : i32
      %add3A_37 = arith.addi %mul3A_35, %add3A_36 : i32
      "tpu.region"() ({
        %run_scoped3A = tpu.sem_alloc : memref<!tpu.dma_semaphore, #tpu.memory_space<semaphore_mem>>
        %dma_start3A = tpu.memref_slice %arg5[%add3A_37] : memref<20000xf32, #tpu.memory_space<hbm>> -> memref<2000xf32, #tpu.memory_space<hbm>>
        %dma_start3A_38 = tpu.memref_slice %arg5[%add3A_37] : memref<20000xf32, #tpu.memory_space<hbm>> -> memref<2000xf32, #tpu.memory_space<hbm>>
        tpu.enqueue_dma source(%arg8 : memref<2000xf32, #tpu.memory_space<vmem>>) target(%dma_start3A_38 : memref<2000xf32, #tpu.memory_space<hbm>>) target_semaphore(%run_scoped3A : memref<!tpu.dma_semaphore, #tpu.memory_space<semaphore_mem>>)
        %dma_wait3A = tpu.memref_slice %arg5[%add3A_37] : memref<20000xf32, #tpu.memory_space<hbm>> -> memref<2000xf32, #tpu.memory_space<hbm>>
        %dma_wait3A_39 = tpu.memref_slice %arg5[%add3A_37] : memref<20000xf32, #tpu.memory_space<hbm>> -> memref<2000xf32, #tpu.memory_space<hbm>>
        tpu.wait_dma2 semaphore(%run_scoped3A : memref<!tpu.dma_semaphore, #tpu.memory_space<semaphore_mem>>) src(%arg8 : memref<2000xf32, #tpu.memory_space<vmem>>) dst(%dma_wait3A_39 : memref<2000xf32, #tpu.memory_space<hbm>>)
        tpu.yield
      }) : () -> ()
    } else {
    }
    return
  }
}

#map = affine_map<(d0, d1) -> (0, 0)>
#map1 = affine_map<(d0, d1) -> (0)>
module attributes {stable_mosaic.version = 14 : i64} {
  func.func @_sc_scatter(%arg0: i32, %arg1: i32, %arg2: memref<10000x128xf32, #tpu.memory_space<hbm>>, %arg3: memref<640000xi32, #tpu.memory_space<hbm>>, %arg4: memref<632x128xf32, #tpu.memory_space<hbm>>, %arg5: memref<20000x128xf32, #tpu.memory_space<hbm>>, %arg6: memref<5000xi32, #tpu.memory_space<vmem>>, %arg7: memref<5000xi32, #tpu.memory_space<vmem>>, %arg8: memref<2x128x128xf32, #tpu.memory_space<vmem>>, %arg9: memref<10000x128xf32, #tpu.memory_space<vmem_shared>>, %arg10: memref<!tpu.dma_semaphore, #tpu.memory_space<semaphore_mem>>, %arg11: memref<!tpu.dma_semaphore, #tpu.memory_space<semaphore_mem>>) attributes {dimension_semantics = [#tpu.dimension_semantics<core_parallel>, #tpu.dimension_semantics<subcore_parallel>], iteration_bounds = array<i64: 2, 16>, scalar_prefetch = 0 : i64, scratch_operands = 6 : i64, tpu.core_type = #tpu.core_type<sc_vector_subcore>, window_params = [{transform_indices = #map}, {transform_indices = #map1}, {transform_indices = #map}, {transform_indices = #map}]} {
    %mul3A = arith.constant 16 : i32
    %mul3A_0 = arith.muli %arg0, %mul3A : i32
    %add3A = arith.addi %mul3A_0, %arg1 : i32
    %lt3A = arith.constant 15 : i32
    %lt3A_1 = arith.cmpi slt, %arg1, %lt3A : i32
    %convert_element_type3A = arith.extui %lt3A_1 : i1 to i32
    %cond3A = arith.constant 0 : i32
    %cond3A_2 = arith.cmpi ne, %convert_element_type3A, %cond3A : i32
    scf.if %cond3A_2 {
      %mul3A_210 = arith.constant 632 : i32
      %mul3A_211 = arith.muli %arg1, %mul3A_210 : i32
      "tpu.region"() ({
        %run_scoped3A_212 = tpu.sem_alloc : memref<!tpu.dma_semaphore, #tpu.memory_space<semaphore_mem>>
        %dma_start3A_213 = arith.constant 0 : i32
        %dma_start3A_214 = tpu.memref_slice %arg9[%mul3A_211, %dma_start3A_213] : memref<10000x128xf32, #tpu.memory_space<vmem_shared>> -> memref<632x128xf32, #tpu.memory_space<vmem_shared>>
        tpu.enqueue_dma source(%arg4 : memref<632x128xf32, #tpu.memory_space<hbm>>) target(%dma_start3A_214 : memref<632x128xf32, #tpu.memory_space<vmem_shared>>) target_semaphore(%run_scoped3A_212 : memref<!tpu.dma_semaphore, #tpu.memory_space<semaphore_mem>>)
        %dma_wait3A_215 = arith.constant 0 : i32
        %dma_wait3A_216 = tpu.memref_slice %arg9[%mul3A_211, %dma_wait3A_215] : memref<10000x128xf32, #tpu.memory_space<vmem_shared>> -> memref<632x128xf32, #tpu.memory_space<vmem_shared>>
        tpu.wait_dma2 semaphore(%run_scoped3A_212 : memref<!tpu.dma_semaphore, #tpu.memory_space<semaphore_mem>>) src(%arg4 : memref<632x128xf32, #tpu.memory_space<hbm>>) dst(%dma_wait3A_216 : memref<632x128xf32, #tpu.memory_space<vmem_shared>>)
        tpu.yield
      }) : () -> ()
    } else {
    }
    %eq3A = arith.constant 15 : i32
    %eq3A_3 = arith.cmpi eq, %arg1, %eq3A : i32
    %convert_element_type3A_4 = arith.extui %eq3A_3 : i1 to i32
    %cond3A_5 = arith.constant 0 : i32
    %cond3A_6 = arith.cmpi ne, %convert_element_type3A_4, %cond3A_5 : i32
    scf.if %cond3A_6 {
      "tpu.region"() ({
        %run_scoped3A_210 = tpu.sem_alloc : memref<!tpu.dma_semaphore, #tpu.memory_space<semaphore_mem>>
        %dma_start3A_211 = arith.constant 9480 : i32
        %dma_start3A_212 = arith.constant 0 : i32
        %dma_start3A_213 = tpu.memref_slice %arg9[%dma_start3A_211, %dma_start3A_212] : memref<10000x128xf32, #tpu.memory_space<vmem_shared>> -> memref<520x128xf32, #tpu.memory_space<vmem_shared>>
        %dma_start3A_214 = arith.constant 0 : i32
        %dma_start3A_215 = arith.constant 0 : i32
        %dma_start3A_216 = tpu.memref_slice %arg4[%dma_start3A_214, %dma_start3A_215] : memref<632x128xf32, #tpu.memory_space<hbm>> -> memref<520x128xf32, #tpu.memory_space<hbm>>
        tpu.enqueue_dma source(%dma_start3A_216 : memref<520x128xf32, #tpu.memory_space<hbm>>) target(%dma_start3A_213 : memref<520x128xf32, #tpu.memory_space<vmem_shared>>) target_semaphore(%run_scoped3A_210 : memref<!tpu.dma_semaphore, #tpu.memory_space<semaphore_mem>>)
        %dma_wait3A_217 = arith.constant 9480 : i32
        %dma_wait3A_218 = arith.constant 0 : i32
        %dma_wait3A_219 = tpu.memref_slice %arg9[%dma_wait3A_217, %dma_wait3A_218] : memref<10000x128xf32, #tpu.memory_space<vmem_shared>> -> memref<520x128xf32, #tpu.memory_space<vmem_shared>>
        %dma_wait3A_220 = arith.constant 0 : i32
        %dma_wait3A_221 = arith.constant 0 : i32
        %dma_wait3A_222 = tpu.memref_slice %arg4[%dma_wait3A_220, %dma_wait3A_221] : memref<632x128xf32, #tpu.memory_space<hbm>> -> memref<520x128xf32, #tpu.memory_space<hbm>>
        tpu.wait_dma2 semaphore(%run_scoped3A_210 : memref<!tpu.dma_semaphore, #tpu.memory_space<semaphore_mem>>) src(%dma_wait3A_222 : memref<520x128xf32, #tpu.memory_space<hbm>>) dst(%dma_wait3A_219 : memref<520x128xf32, #tpu.memory_space<vmem_shared>>)
        tpu.yield
      }) : () -> ()
    } else {
    }
    %barrier3A = arith.constant 0 : index
    tpu.barrier barrier_id(%barrier3A)
    %mul3A_7 = arith.constant 2 : i32
    %mul3A_8 = arith.muli %add3A, %mul3A_7 : i32
    %add3A_9 = arith.constant 0 : i32
    %add3A_10 = arith.addi %mul3A_8, %add3A_9 : i32
    %mul3A_11 = arith.constant 5000 : i32
    %mul3A_12 = arith.muli %add3A_10, %mul3A_11 : i32
    "tpu.region"() ({
      %run_scoped3A_210 = tpu.sem_alloc : memref<!tpu.dma_semaphore, #tpu.memory_space<semaphore_mem>>
      %dma_start3A_211 = tpu.memref_slice %arg3[%mul3A_12] : memref<640000xi32, #tpu.memory_space<hbm>> -> memref<5000xi32, #tpu.memory_space<hbm>>
      %dma_start3A_212 = tpu.memref_slice %arg3[%mul3A_12] : memref<640000xi32, #tpu.memory_space<hbm>> -> memref<5000xi32, #tpu.memory_space<hbm>>
      tpu.enqueue_dma source(%dma_start3A_212 : memref<5000xi32, #tpu.memory_space<hbm>>) target(%arg6 : memref<5000xi32, #tpu.memory_space<vmem>>) target_semaphore(%run_scoped3A_210 : memref<!tpu.dma_semaphore, #tpu.memory_space<semaphore_mem>>)
      %dma_wait3A_213 = tpu.memref_slice %arg3[%mul3A_12] : memref<640000xi32, #tpu.memory_space<hbm>> -> memref<5000xi32, #tpu.memory_space<hbm>>
      %dma_wait3A_214 = tpu.memref_slice %arg3[%mul3A_12] : memref<640000xi32, #tpu.memory_space<hbm>> -> memref<5000xi32, #tpu.memory_space<hbm>>
      tpu.wait_dma2 semaphore(%run_scoped3A_210 : memref<!tpu.dma_semaphore, #tpu.memory_space<semaphore_mem>>) src(%dma_wait3A_214 : memref<5000xi32, #tpu.memory_space<hbm>>) dst(%arg6 : memref<5000xi32, #tpu.memory_space<vmem>>)
      tpu.yield
    }) : () -> ()
    %add3A_13 = arith.constant 320000 : i32
    %add3A_14 = arith.addi %add3A_13, %mul3A_12 : i32
    "tpu.region"() ({
      %run_scoped3A_210 = tpu.sem_alloc : memref<!tpu.dma_semaphore, #tpu.memory_space<semaphore_mem>>
      %dma_start3A_211 = tpu.memref_slice %arg3[%add3A_14] : memref<640000xi32, #tpu.memory_space<hbm>> -> memref<5000xi32, #tpu.memory_space<hbm>>
      %dma_start3A_212 = tpu.memref_slice %arg3[%add3A_14] : memref<640000xi32, #tpu.memory_space<hbm>> -> memref<5000xi32, #tpu.memory_space<hbm>>
      tpu.enqueue_dma source(%dma_start3A_212 : memref<5000xi32, #tpu.memory_space<hbm>>) target(%arg7 : memref<5000xi32, #tpu.memory_space<vmem>>) target_semaphore(%run_scoped3A_210 : memref<!tpu.dma_semaphore, #tpu.memory_space<semaphore_mem>>)
      %dma_wait3A_213 = tpu.memref_slice %arg3[%add3A_14] : memref<640000xi32, #tpu.memory_space<hbm>> -> memref<5000xi32, #tpu.memory_space<hbm>>
      %dma_wait3A_214 = tpu.memref_slice %arg3[%add3A_14] : memref<640000xi32, #tpu.memory_space<hbm>> -> memref<5000xi32, #tpu.memory_space<hbm>>
      tpu.wait_dma2 semaphore(%run_scoped3A_210 : memref<!tpu.dma_semaphore, #tpu.memory_space<semaphore_mem>>) src(%dma_wait3A_214 : memref<5000xi32, #tpu.memory_space<hbm>>) dst(%arg7 : memref<5000xi32, #tpu.memory_space<vmem>>)
      tpu.yield
    }) : () -> ()
    %dma_start3A = arith.constant 0 : i32
    %dma_start3A_15 = arith.constant 0 : i32
    %dma_start3A_16 = arith.constant 0 : i32
    %dma_start3A_17 = tpu.memref_slice %arg8[%dma_start3A, %dma_start3A_15, %dma_start3A_16] : memref<2x128x128xf32, #tpu.memory_space<vmem>> -> memref<1x128x128xf32, #tpu.memory_space<vmem>>
    %dma_start3A_18 = tpu.memref_squeeze %dma_start3A_17 : memref<1x128x128xf32, #tpu.memory_space<vmem>> -> memref<128x128xf32, #tpu.memory_space<vmem>>
    %dma_start3A_19 = arith.constant 0 : i32
    %dma_start3A_20 = tpu.memref_slice %arg6[%dma_start3A_19] : memref<5000xi32, #tpu.memory_space<vmem>> -> memref<128xi32, #tpu.memory_space<vmem>>
    %dma_start3A_21 = arith.constant 0 : i32
    %dma_start3A_22 = arith.constant 0 : i32
    %dma_start3A_23 = tpu.memref_slice %arg2[%dma_start3A_21, %dma_start3A_22] : memref<10000x128xf32, #tpu.memory_space<hbm>> -> memref<10000x128xf32, #tpu.memory_space<hbm>>
    tpu.enqueue_indirect_dma source(%dma_start3A_23 : memref<10000x128xf32, #tpu.memory_space<hbm>>) target(%dma_start3A_18 : memref<128x128xf32, #tpu.memory_space<vmem>>) offsets(%dma_start3A_20 : memref<128xi32, #tpu.memory_space<vmem>>) semaphore(%arg10 : memref<!tpu.dma_semaphore, #tpu.memory_space<semaphore_mem>>)
    %dma_start3A_24 = arith.constant 1 : i32
    %dma_start3A_25 = arith.constant 0 : i32
    %dma_start3A_26 = arith.constant 0 : i32
    %dma_start3A_27 = tpu.memref_slice %arg8[%dma_start3A_24, %dma_start3A_25, %dma_start3A_26] : memref<2x128x128xf32, #tpu.memory_space<vmem>> -> memref<1x128x128xf32, #tpu.memory_space<vmem>>
    %dma_start3A_28 = tpu.memref_squeeze %dma_start3A_27 : memref<1x128x128xf32, #tpu.memory_space<vmem>> -> memref<128x128xf32, #tpu.memory_space<vmem>>
    %dma_start3A_29 = arith.constant 128 : i32
    %dma_start3A_30 = tpu.memref_slice %arg6[%dma_start3A_29] : memref<5000xi32, #tpu.memory_space<vmem>> -> memref<128xi32, #tpu.memory_space<vmem>>
    %dma_start3A_31 = arith.constant 0 : i32
    %dma_start3A_32 = arith.constant 0 : i32
    %dma_start3A_33 = tpu.memref_slice %arg2[%dma_start3A_31, %dma_start3A_32] : memref<10000x128xf32, #tpu.memory_space<hbm>> -> memref<10000x128xf32, #tpu.memory_space<hbm>>
    tpu.enqueue_indirect_dma source(%dma_start3A_33 : memref<10000x128xf32, #tpu.memory_space<hbm>>) target(%dma_start3A_28 : memref<128x128xf32, #tpu.memory_space<vmem>>) offsets(%dma_start3A_30 : memref<128xi32, #tpu.memory_space<vmem>>) semaphore(%arg11 : memref<!tpu.dma_semaphore, #tpu.memory_space<semaphore_mem>>)
    %scan3A = arith.constant 0 : i32
    %scan3A_34 = arith.constant 0 : i32
    %scan3A_35 = arith.constant 18 : i32
    %scan3A_36 = arith.addi %scan3A_34, %scan3A_35 : i32
    %scan3A_37 = arith.constant 1 : i32
    scf.for %scan3A_210 = %scan3A_34 to %scan3A_36 step %scan3A_37  : i32 {
      %mul3A_211 = arith.constant 2 : i32
      %mul3A_212 = arith.muli %scan3A_210, %mul3A_211 : i32
      %add3A_213 = arith.constant 0 : i32
      %add3A_214 = arith.addi %mul3A_212, %add3A_213 : i32
      %mul3A_215 = arith.constant 128 : i32
      %mul3A_216 = arith.muli %add3A_214, %mul3A_215 : i32
      %dma_wait3A_217 = arith.constant 0 : i32
      %dma_wait3A_218 = arith.constant 0 : i32
      %dma_wait3A_219 = arith.constant 0 : i32
      %dma_wait3A_220 = tpu.memref_slice %arg8[%dma_wait3A_217, %dma_wait3A_218, %dma_wait3A_219] : memref<2x128x128xf32, #tpu.memory_space<vmem>> -> memref<1x128x128xf32, #tpu.memory_space<vmem>>
      %dma_wait3A_221 = tpu.memref_squeeze %dma_wait3A_220 : memref<1x128x128xf32, #tpu.memory_space<vmem>> -> memref<128x128xf32, #tpu.memory_space<vmem>>
      %dma_wait3A_222 = tpu.memref_slice %arg6[%mul3A_216] : memref<5000xi32, #tpu.memory_space<vmem>> -> memref<128xi32, #tpu.memory_space<vmem>>
      %dma_wait3A_223 = arith.constant 0 : i32
      %dma_wait3A_224 = arith.constant 0 : i32
      %dma_wait3A_225 = tpu.memref_slice %arg2[%dma_wait3A_223, %dma_wait3A_224] : memref<10000x128xf32, #tpu.memory_space<hbm>> -> memref<10000x128xf32, #tpu.memory_space<hbm>>
      tpu.wait_indirect_dma semaphore(%arg10 : memref<!tpu.dma_semaphore, #tpu.memory_space<semaphore_mem>>) src(%dma_wait3A_225 : memref<10000x128xf32, #tpu.memory_space<hbm>>) dst(%dma_wait3A_221 : memref<128x128xf32, #tpu.memory_space<vmem>>)
      %mul3A_226 = arith.constant 128 : i32
      %mul3A_227 = arith.muli %add3A_214, %mul3A_226 : i32
      %run_scoped3A_228 = arith.constant 0 : i32
      "tpu.region"() ({
        %run_scoped3A_273 = tpu.sem_alloc : memref<!tpu.dma_semaphore, #tpu.memory_space<semaphore_mem>>
        %dma_start3A_274 = arith.constant 0 : i32
        %dma_start3A_275 = arith.constant 0 : i32
        %dma_start3A_276 = tpu.memref_slice %arg8[%run_scoped3A_228, %dma_start3A_274, %dma_start3A_275] : memref<2x128x128xf32, #tpu.memory_space<vmem>> -> memref<1x128x128xf32, #tpu.memory_space<vmem>>
        %dma_start3A_277 = tpu.memref_squeeze %dma_start3A_276 : memref<1x128x128xf32, #tpu.memory_space<vmem>> -> memref<128x128xf32, #tpu.memory_space<vmem>>
        %dma_start3A_278 = tpu.memref_slice %arg7[%mul3A_227] : memref<5000xi32, #tpu.memory_space<vmem>> -> memref<128xi32, #tpu.memory_space<vmem>>
        %dma_start3A_279 = arith.constant 0 : i32
        %dma_start3A_280 = arith.constant 0 : i32
        %dma_start3A_281 = tpu.memref_slice %arg9[%dma_start3A_279, %dma_start3A_280] : memref<10000x128xf32, #tpu.memory_space<vmem_shared>> -> memref<10000x128xf32, #tpu.memory_space<vmem_shared>>
        tpu.enqueue_indirect_dma source(%dma_start3A_277 : memref<128x128xf32, #tpu.memory_space<vmem>>) target(%dma_start3A_281 : memref<10000x128xf32, #tpu.memory_space<vmem_shared>>) offsets(%dma_start3A_278 : memref<128xi32, #tpu.memory_space<vmem>>) semaphore(%run_scoped3A_273 : memref<!tpu.dma_semaphore, #tpu.memory_space<semaphore_mem>>) {add = true}
        %dma_wait3A_282 = arith.constant 0 : i32
        %dma_wait3A_283 = arith.constant 0 : i32
        %dma_wait3A_284 = tpu.memref_slice %arg8[%run_scoped3A_228, %dma_wait3A_282, %dma_wait3A_283] : memref<2x128x128xf32, #tpu.memory_space<vmem>> -> memref<1x128x128xf32, #tpu.memory_space<vmem>>
        %dma_wait3A_285 = tpu.memref_squeeze %dma_wait3A_284 : memref<1x128x128xf32, #tpu.memory_space<vmem>> -> memref<128x128xf32, #tpu.memory_space<vmem>>
        %dma_wait3A_286 = tpu.memref_slice %arg7[%mul3A_227] : memref<5000xi32, #tpu.memory_space<vmem>> -> memref<128xi32, #tpu.memory_space<vmem>>
        %dma_wait3A_287 = arith.constant 0 : i32
        %dma_wait3A_288 = arith.constant 0 : i32
        %dma_wait3A_289 = tpu.memref_slice %arg9[%dma_wait3A_287, %dma_wait3A_288] : memref<10000x128xf32, #tpu.memory_space<vmem_shared>> -> memref<10000x128xf32, #tpu.memory_space<vmem_shared>>
        tpu.wait_indirect_dma semaphore(%run_scoped3A_273 : memref<!tpu.dma_semaphore, #tpu.memory_space<semaphore_mem>>) src(%dma_wait3A_285 : memref<128x128xf32, #tpu.memory_space<vmem>>) dst(%dma_wait3A_289 : memref<10000x128xf32, #tpu.memory_space<vmem_shared>>)
        tpu.yield
      }) : () -> ()
      %add3A_229 = arith.constant 2 : i32
      %add3A_230 = arith.addi %add3A_214, %add3A_229 : i32
      %mul3A_231 = arith.constant 128 : i32
      %mul3A_232 = arith.muli %add3A_230, %mul3A_231 : i32
      %dma_start3A_233 = arith.constant 0 : i32
      %dma_start3A_234 = arith.constant 0 : i32
      %dma_start3A_235 = arith.constant 0 : i32
      %dma_start3A_236 = tpu.memref_slice %arg8[%dma_start3A_233, %dma_start3A_234, %dma_start3A_235] : memref<2x128x128xf32, #tpu.memory_space<vmem>> -> memref<1x128x128xf32, #tpu.memory_space<vmem>>
      %dma_start3A_237 = tpu.memref_squeeze %dma_start3A_236 : memref<1x128x128xf32, #tpu.memory_space<vmem>> -> memref<128x128xf32, #tpu.memory_space<vmem>>
      %dma_start3A_238 = tpu.memref_slice %arg6[%mul3A_232] : memref<5000xi32, #tpu.memory_space<vmem>> -> memref<128xi32, #tpu.memory_space<vmem>>
      %dma_start3A_239 = arith.constant 0 : i32
      %dma_start3A_240 = arith.constant 0 : i32
      %dma_start3A_241 = tpu.memref_slice %arg2[%dma_start3A_239, %dma_start3A_240] : memref<10000x128xf32, #tpu.memory_space<hbm>> -> memref<10000x128xf32, #tpu.memory_space<hbm>>
      tpu.enqueue_indirect_dma source(%dma_start3A_241 : memref<10000x128xf32, #tpu.memory_space<hbm>>) target(%dma_start3A_237 : memref<128x128xf32, #tpu.memory_space<vmem>>) offsets(%dma_start3A_238 : memref<128xi32, #tpu.memory_space<vmem>>) semaphore(%arg10 : memref<!tpu.dma_semaphore, #tpu.memory_space<semaphore_mem>>)
      %mul3A_242 = arith.constant 2 : i32
      %mul3A_243 = arith.muli %scan3A_210, %mul3A_242 : i32
      %add3A_244 = arith.constant 1 : i32
      %add3A_245 = arith.addi %mul3A_243, %add3A_244 : i32
      %mul3A_246 = arith.constant 128 : i32
      %mul3A_247 = arith.muli %add3A_245, %mul3A_246 : i32
      %dma_wait3A_248 = arith.constant 1 : i32
      %dma_wait3A_249 = arith.constant 0 : i32
      %dma_wait3A_250 = arith.constant 0 : i32
      %dma_wait3A_251 = tpu.memref_slice %arg8[%dma_wait3A_248, %dma_wait3A_249, %dma_wait3A_250] : memref<2x128x128xf32, #tpu.memory_space<vmem>> -> memref<1x128x128xf32, #tpu.memory_space<vmem>>
      %dma_wait3A_252 = tpu.memref_squeeze %dma_wait3A_251 : memref<1x128x128xf32, #tpu.memory_space<vmem>> -> memref<128x128xf32, #tpu.memory_space<vmem>>
      %dma_wait3A_253 = tpu.memref_slice %arg6[%mul3A_247] : memref<5000xi32, #tpu.memory_space<vmem>> -> memref<128xi32, #tpu.memory_space<vmem>>
      %dma_wait3A_254 = arith.constant 0 : i32
      %dma_wait3A_255 = arith.constant 0 : i32
      %dma_wait3A_256 = tpu.memref_slice %arg2[%dma_wait3A_254, %dma_wait3A_255] : memref<10000x128xf32, #tpu.memory_space<hbm>> -> memref<10000x128xf32, #tpu.memory_space<hbm>>
      tpu.wait_indirect_dma semaphore(%arg11 : memref<!tpu.dma_semaphore, #tpu.memory_space<semaphore_mem>>) src(%dma_wait3A_256 : memref<10000x128xf32, #tpu.memory_space<hbm>>) dst(%dma_wait3A_252 : memref<128x128xf32, #tpu.memory_space<vmem>>)
      %mul3A_257 = arith.constant 128 : i32
      %mul3A_258 = arith.muli %add3A_245, %mul3A_257 : i32
      %run_scoped3A_259 = arith.constant 1 : i32
      "tpu.region"() ({
        %run_scoped3A_273 = tpu.sem_alloc : memref<!tpu.dma_semaphore, #tpu.memory_space<semaphore_mem>>
        %dma_start3A_274 = arith.constant 0 : i32
        %dma_start3A_275 = arith.constant 0 : i32
        %dma_start3A_276 = tpu.memref_slice %arg8[%run_scoped3A_259, %dma_start3A_274, %dma_start3A_275] : memref<2x128x128xf32, #tpu.memory_space<vmem>> -> memref<1x128x128xf32, #tpu.memory_space<vmem>>
        %dma_start3A_277 = tpu.memref_squeeze %dma_start3A_276 : memref<1x128x128xf32, #tpu.memory_space<vmem>> -> memref<128x128xf32, #tpu.memory_space<vmem>>
        %dma_start3A_278 = tpu.memref_slice %arg7[%mul3A_258] : memref<5000xi32, #tpu.memory_space<vmem>> -> memref<128xi32, #tpu.memory_space<vmem>>
        %dma_start3A_279 = arith.constant 0 : i32
        %dma_start3A_280 = arith.constant 0 : i32
        %dma_start3A_281 = tpu.memref_slice %arg9[%dma_start3A_279, %dma_start3A_280] : memref<10000x128xf32, #tpu.memory_space<vmem_shared>> -> memref<10000x128xf32, #tpu.memory_space<vmem_shared>>
        tpu.enqueue_indirect_dma source(%dma_start3A_277 : memref<128x128xf32, #tpu.memory_space<vmem>>) target(%dma_start3A_281 : memref<10000x128xf32, #tpu.memory_space<vmem_shared>>) offsets(%dma_start3A_278 : memref<128xi32, #tpu.memory_space<vmem>>) semaphore(%run_scoped3A_273 : memref<!tpu.dma_semaphore, #tpu.memory_space<semaphore_mem>>) {add = true}
        %dma_wait3A_282 = arith.constant 0 : i32
        %dma_wait3A_283 = arith.constant 0 : i32
        %dma_wait3A_284 = tpu.memref_slice %arg8[%run_scoped3A_259, %dma_wait3A_282, %dma_wait3A_283] : memref<2x128x128xf32, #tpu.memory_space<vmem>> -> memref<1x128x128xf32, #tpu.memory_space<vmem>>
        %dma_wait3A_285 = tpu.memref_squeeze %dma_wait3A_284 : memref<1x128x128xf32, #tpu.memory_space<vmem>> -> memref<128x128xf32, #tpu.memory_space<vmem>>
        %dma_wait3A_286 = tpu.memref_slice %arg7[%mul3A_258] : memref<5000xi32, #tpu.memory_space<vmem>> -> memref<128xi32, #tpu.memory_space<vmem>>
        %dma_wait3A_287 = arith.constant 0 : i32
        %dma_wait3A_288 = arith.constant 0 : i32
        %dma_wait3A_289 = tpu.memref_slice %arg9[%dma_wait3A_287, %dma_wait3A_288] : memref<10000x128xf32, #tpu.memory_space<vmem_shared>> -> memref<10000x128xf32, #tpu.memory_space<vmem_shared>>
        tpu.wait_indirect_dma semaphore(%run_scoped3A_273 : memref<!tpu.dma_semaphore, #tpu.memory_space<semaphore_mem>>) src(%dma_wait3A_285 : memref<128x128xf32, #tpu.memory_space<vmem>>) dst(%dma_wait3A_289 : memref<10000x128xf32, #tpu.memory_space<vmem_shared>>)
        tpu.yield
      }) : () -> ()
      %add3A_260 = arith.constant 2 : i32
      %add3A_261 = arith.addi %add3A_245, %add3A_260 : i32
      %mul3A_262 = arith.constant 128 : i32
      %mul3A_263 = arith.muli %add3A_261, %mul3A_262 : i32
      %dma_start3A_264 = arith.constant 1 : i32
      %dma_start3A_265 = arith.constant 0 : i32
      %dma_start3A_266 = arith.constant 0 : i32
      %dma_start3A_267 = tpu.memref_slice %arg8[%dma_start3A_264, %dma_start3A_265, %dma_start3A_266] : memref<2x128x128xf32, #tpu.memory_space<vmem>> -> memref<1x128x128xf32, #tpu.memory_space<vmem>>
      %dma_start3A_268 = tpu.memref_squeeze %dma_start3A_267 : memref<1x128x128xf32, #tpu.memory_space<vmem>> -> memref<128x128xf32, #tpu.memory_space<vmem>>
      %dma_start3A_269 = tpu.memref_slice %arg6[%mul3A_263] : memref<5000xi32, #tpu.memory_space<vmem>> -> memref<128xi32, #tpu.memory_space<vmem>>
      %dma_start3A_270 = arith.constant 0 : i32
      %dma_start3A_271 = arith.constant 0 : i32
      %dma_start3A_272 = tpu.memref_slice %arg2[%dma_start3A_270, %dma_start3A_271] : memref<10000x128xf32, #tpu.memory_space<hbm>> -> memref<10000x128xf32, #tpu.memory_space<hbm>>
      tpu.enqueue_indirect_dma source(%dma_start3A_272 : memref<10000x128xf32, #tpu.memory_space<hbm>>) target(%dma_start3A_268 : memref<128x128xf32, #tpu.memory_space<vmem>>) offsets(%dma_start3A_269 : memref<128xi32, #tpu.memory_space<vmem>>) semaphore(%arg11 : memref<!tpu.dma_semaphore, #tpu.memory_space<semaphore_mem>>)
    }
    %scan3A_38 = arith.constant 18 : i32
    %dma_wait3A = arith.constant 0 : i32
    %dma_wait3A_39 = arith.constant 0 : i32
    %dma_wait3A_40 = arith.constant 0 : i32
    %dma_wait3A_41 = tpu.memref_slice %arg8[%dma_wait3A, %dma_wait3A_39, %dma_wait3A_40] : memref<2x128x128xf32, #tpu.memory_space<vmem>> -> memref<1x128x128xf32, #tpu.memory_space<vmem>>
    %dma_wait3A_42 = tpu.memref_squeeze %dma_wait3A_41 : memref<1x128x128xf32, #tpu.memory_space<vmem>> -> memref<128x128xf32, #tpu.memory_space<vmem>>
    %dma_wait3A_43 = arith.constant 4608 : i32
    %dma_wait3A_44 = tpu.memref_slice %arg6[%dma_wait3A_43] : memref<5000xi32, #tpu.memory_space<vmem>> -> memref<128xi32, #tpu.memory_space<vmem>>
    %dma_wait3A_45 = arith.constant 0 : i32
    %dma_wait3A_46 = arith.constant 0 : i32
    %dma_wait3A_47 = tpu.memref_slice %arg2[%dma_wait3A_45, %dma_wait3A_46] : memref<10000x128xf32, #tpu.memory_space<hbm>> -> memref<10000x128xf32, #tpu.memory_space<hbm>>
    tpu.wait_indirect_dma semaphore(%arg10 : memref<!tpu.dma_semaphore, #tpu.memory_space<semaphore_mem>>) src(%dma_wait3A_47 : memref<10000x128xf32, #tpu.memory_space<hbm>>) dst(%dma_wait3A_42 : memref<128x128xf32, #tpu.memory_space<vmem>>)
    %run_scoped3A = arith.constant 0 : i32
    "tpu.region"() ({
      %run_scoped3A_210 = tpu.sem_alloc : memref<!tpu.dma_semaphore, #tpu.memory_space<semaphore_mem>>
      %dma_start3A_211 = arith.constant 0 : i32
      %dma_start3A_212 = arith.constant 0 : i32
      %dma_start3A_213 = tpu.memref_slice %arg8[%run_scoped3A, %dma_start3A_211, %dma_start3A_212] : memref<2x128x128xf32, #tpu.memory_space<vmem>> -> memref<1x128x128xf32, #tpu.memory_space<vmem>>
      %dma_start3A_214 = tpu.memref_squeeze %dma_start3A_213 : memref<1x128x128xf32, #tpu.memory_space<vmem>> -> memref<128x128xf32, #tpu.memory_space<vmem>>
      %dma_start3A_215 = arith.constant 4608 : i32
      %dma_start3A_216 = tpu.memref_slice %arg7[%dma_start3A_215] : memref<5000xi32, #tpu.memory_space<vmem>> -> memref<128xi32, #tpu.memory_space<vmem>>
      %dma_start3A_217 = arith.constant 0 : i32
      %dma_start3A_218 = arith.constant 0 : i32
      %dma_start3A_219 = tpu.memref_slice %arg9[%dma_start3A_217, %dma_start3A_218] : memref<10000x128xf32, #tpu.memory_space<vmem_shared>> -> memref<10000x128xf32, #tpu.memory_space<vmem_shared>>
      tpu.enqueue_indirect_dma source(%dma_start3A_214 : memref<128x128xf32, #tpu.memory_space<vmem>>) target(%dma_start3A_219 : memref<10000x128xf32, #tpu.memory_space<vmem_shared>>) offsets(%dma_start3A_216 : memref<128xi32, #tpu.memory_space<vmem>>) semaphore(%run_scoped3A_210 : memref<!tpu.dma_semaphore, #tpu.memory_space<semaphore_mem>>) {add = true}
      %dma_wait3A_220 = arith.constant 0 : i32
      %dma_wait3A_221 = arith.constant 0 : i32
      %dma_wait3A_222 = tpu.memref_slice %arg8[%run_scoped3A, %dma_wait3A_220, %dma_wait3A_221] : memref<2x128x128xf32, #tpu.memory_space<vmem>> -> memref<1x128x128xf32, #tpu.memory_space<vmem>>
      %dma_wait3A_223 = tpu.memref_squeeze %dma_wait3A_222 : memref<1x128x128xf32, #tpu.memory_space<vmem>> -> memref<128x128xf32, #tpu.memory_space<vmem>>
      %dma_wait3A_224 = arith.constant 4608 : i32
      %dma_wait3A_225 = tpu.memref_slice %arg7[%dma_wait3A_224] : memref<5000xi32, #tpu.memory_space<vmem>> -> memref<128xi32, #tpu.memory_space<vmem>>
      %dma_wait3A_226 = arith.constant 0 : i32
      %dma_wait3A_227 = arith.constant 0 : i32
      %dma_wait3A_228 = tpu.memref_slice %arg9[%dma_wait3A_226, %dma_wait3A_227] : memref<10000x128xf32, #tpu.memory_space<vmem_shared>> -> memref<10000x128xf32, #tpu.memory_space<vmem_shared>>
      tpu.wait_indirect_dma semaphore(%run_scoped3A_210 : memref<!tpu.dma_semaphore, #tpu.memory_space<semaphore_mem>>) src(%dma_wait3A_223 : memref<128x128xf32, #tpu.memory_space<vmem>>) dst(%dma_wait3A_228 : memref<10000x128xf32, #tpu.memory_space<vmem_shared>>)
      tpu.yield
    }) : () -> ()
    %dma_start3A_48 = arith.constant 0 : i32
    %dma_start3A_49 = arith.constant 0 : i32
    %dma_start3A_50 = arith.constant 0 : i32
    %dma_start3A_51 = tpu.memref_slice %arg8[%dma_start3A_48, %dma_start3A_49, %dma_start3A_50] : memref<2x128x128xf32, #tpu.memory_space<vmem>> -> memref<1x128x128xf32, #tpu.memory_space<vmem>>
    %dma_start3A_52 = tpu.memref_squeeze %dma_start3A_51 : memref<1x128x128xf32, #tpu.memory_space<vmem>> -> memref<128x128xf32, #tpu.memory_space<vmem>>
    %dma_start3A_53 = arith.constant 4864 : i32
    %dma_start3A_54 = tpu.memref_slice %arg6[%dma_start3A_53] : memref<5000xi32, #tpu.memory_space<vmem>> -> memref<128xi32, #tpu.memory_space<vmem>>
    %dma_start3A_55 = arith.constant 0 : i32
    %dma_start3A_56 = arith.constant 0 : i32
    %dma_start3A_57 = tpu.memref_slice %arg2[%dma_start3A_55, %dma_start3A_56] : memref<10000x128xf32, #tpu.memory_space<hbm>> -> memref<10000x128xf32, #tpu.memory_space<hbm>>
    tpu.enqueue_indirect_dma source(%dma_start3A_57 : memref<10000x128xf32, #tpu.memory_space<hbm>>) target(%dma_start3A_52 : memref<128x128xf32, #tpu.memory_space<vmem>>) offsets(%dma_start3A_54 : memref<128xi32, #tpu.memory_space<vmem>>) semaphore(%arg10 : memref<!tpu.dma_semaphore, #tpu.memory_space<semaphore_mem>>)
    %dma_wait3A_58 = arith.constant 1 : i32
    %dma_wait3A_59 = arith.constant 0 : i32
    %dma_wait3A_60 = arith.constant 0 : i32
    %dma_wait3A_61 = tpu.memref_slice %arg8[%dma_wait3A_58, %dma_wait3A_59, %dma_wait3A_60] : memref<2x128x128xf32, #tpu.memory_space<vmem>> -> memref<1x128x128xf32, #tpu.memory_space<vmem>>
    %dma_wait3A_62 = tpu.memref_squeeze %dma_wait3A_61 : memref<1x128x128xf32, #tpu.memory_space<vmem>> -> memref<128x128xf32, #tpu.memory_space<vmem>>
    %dma_wait3A_63 = arith.constant 4736 : i32
    %dma_wait3A_64 = tpu.memref_slice %arg6[%dma_wait3A_63] : memref<5000xi32, #tpu.memory_space<vmem>> -> memref<128xi32, #tpu.memory_space<vmem>>
    %dma_wait3A_65 = arith.constant 0 : i32
    %dma_wait3A_66 = arith.constant 0 : i32
    %dma_wait3A_67 = tpu.memref_slice %arg2[%dma_wait3A_65, %dma_wait3A_66] : memref<10000x128xf32, #tpu.memory_space<hbm>> -> memref<10000x128xf32, #tpu.memory_space<hbm>>
    tpu.wait_indirect_dma semaphore(%arg11 : memref<!tpu.dma_semaphore, #tpu.memory_space<semaphore_mem>>) src(%dma_wait3A_67 : memref<10000x128xf32, #tpu.memory_space<hbm>>) dst(%dma_wait3A_62 : memref<128x128xf32, #tpu.memory_space<vmem>>)
    %run_scoped3A_68 = arith.constant 1 : i32
    "tpu.region"() ({
      %run_scoped3A_210 = tpu.sem_alloc : memref<!tpu.dma_semaphore, #tpu.memory_space<semaphore_mem>>
      %dma_start3A_211 = arith.constant 0 : i32
      %dma_start3A_212 = arith.constant 0 : i32
      %dma_start3A_213 = tpu.memref_slice %arg8[%run_scoped3A_68, %dma_start3A_211, %dma_start3A_212] : memref<2x128x128xf32, #tpu.memory_space<vmem>> -> memref<1x128x128xf32, #tpu.memory_space<vmem>>
      %dma_start3A_214 = tpu.memref_squeeze %dma_start3A_213 : memref<1x128x128xf32, #tpu.memory_space<vmem>> -> memref<128x128xf32, #tpu.memory_space<vmem>>
      %dma_start3A_215 = arith.constant 4736 : i32
      %dma_start3A_216 = tpu.memref_slice %arg7[%dma_start3A_215] : memref<5000xi32, #tpu.memory_space<vmem>> -> memref<128xi32, #tpu.memory_space<vmem>>
      %dma_start3A_217 = arith.constant 0 : i32
      %dma_start3A_218 = arith.constant 0 : i32
      %dma_start3A_219 = tpu.memref_slice %arg9[%dma_start3A_217, %dma_start3A_218] : memref<10000x128xf32, #tpu.memory_space<vmem_shared>> -> memref<10000x128xf32, #tpu.memory_space<vmem_shared>>
      tpu.enqueue_indirect_dma source(%dma_start3A_214 : memref<128x128xf32, #tpu.memory_space<vmem>>) target(%dma_start3A_219 : memref<10000x128xf32, #tpu.memory_space<vmem_shared>>) offsets(%dma_start3A_216 : memref<128xi32, #tpu.memory_space<vmem>>) semaphore(%run_scoped3A_210 : memref<!tpu.dma_semaphore, #tpu.memory_space<semaphore_mem>>) {add = true}
      %dma_wait3A_220 = arith.constant 0 : i32
      %dma_wait3A_221 = arith.constant 0 : i32
      %dma_wait3A_222 = tpu.memref_slice %arg8[%run_scoped3A_68, %dma_wait3A_220, %dma_wait3A_221] : memref<2x128x128xf32, #tpu.memory_space<vmem>> -> memref<1x128x128xf32, #tpu.memory_space<vmem>>
      %dma_wait3A_223 = tpu.memref_squeeze %dma_wait3A_222 : memref<1x128x128xf32, #tpu.memory_space<vmem>> -> memref<128x128xf32, #tpu.memory_space<vmem>>
      %dma_wait3A_224 = arith.constant 4736 : i32
      %dma_wait3A_225 = tpu.memref_slice %arg7[%dma_wait3A_224] : memref<5000xi32, #tpu.memory_space<vmem>> -> memref<128xi32, #tpu.memory_space<vmem>>
      %dma_wait3A_226 = arith.constant 0 : i32
      %dma_wait3A_227 = arith.constant 0 : i32
      %dma_wait3A_228 = tpu.memref_slice %arg9[%dma_wait3A_226, %dma_wait3A_227] : memref<10000x128xf32, #tpu.memory_space<vmem_shared>> -> memref<10000x128xf32, #tpu.memory_space<vmem_shared>>
      tpu.wait_indirect_dma semaphore(%run_scoped3A_210 : memref<!tpu.dma_semaphore, #tpu.memory_space<semaphore_mem>>) src(%dma_wait3A_223 : memref<128x128xf32, #tpu.memory_space<vmem>>) dst(%dma_wait3A_228 : memref<10000x128xf32, #tpu.memory_space<vmem_shared>>)
      tpu.yield
    }) : () -> ()
    %dma_wait3A_69 = arith.constant 0 : i32
    %dma_wait3A_70 = arith.constant 0 : i32
    %dma_wait3A_71 = arith.constant 0 : i32
    %dma_wait3A_72 = tpu.memref_slice %arg8[%dma_wait3A_69, %dma_wait3A_70, %dma_wait3A_71] : memref<2x128x128xf32, #tpu.memory_space<vmem>> -> memref<1x128x128xf32, #tpu.memory_space<vmem>>
    %dma_wait3A_73 = tpu.memref_squeeze %dma_wait3A_72 : memref<1x128x128xf32, #tpu.memory_space<vmem>> -> memref<128x128xf32, #tpu.memory_space<vmem>>
    %dma_wait3A_74 = arith.constant 4864 : i32
    %dma_wait3A_75 = tpu.memref_slice %arg6[%dma_wait3A_74] : memref<5000xi32, #tpu.memory_space<vmem>> -> memref<128xi32, #tpu.memory_space<vmem>>
    %dma_wait3A_76 = arith.constant 0 : i32
    %dma_wait3A_77 = arith.constant 0 : i32
    %dma_wait3A_78 = tpu.memref_slice %arg2[%dma_wait3A_76, %dma_wait3A_77] : memref<10000x128xf32, #tpu.memory_space<hbm>> -> memref<10000x128xf32, #tpu.memory_space<hbm>>
    tpu.wait_indirect_dma semaphore(%arg10 : memref<!tpu.dma_semaphore, #tpu.memory_space<semaphore_mem>>) src(%dma_wait3A_78 : memref<10000x128xf32, #tpu.memory_space<hbm>>) dst(%dma_wait3A_73 : memref<128x128xf32, #tpu.memory_space<vmem>>)
    %run_scoped3A_79 = arith.constant 0 : i32
    "tpu.region"() ({
      %run_scoped3A_210 = tpu.sem_alloc : memref<!tpu.dma_semaphore, #tpu.memory_space<semaphore_mem>>
      %dma_start3A_211 = arith.constant 0 : i32
      %dma_start3A_212 = arith.constant 0 : i32
      %dma_start3A_213 = tpu.memref_slice %arg8[%run_scoped3A_79, %dma_start3A_211, %dma_start3A_212] : memref<2x128x128xf32, #tpu.memory_space<vmem>> -> memref<1x128x128xf32, #tpu.memory_space<vmem>>
      %dma_start3A_214 = tpu.memref_squeeze %dma_start3A_213 : memref<1x128x128xf32, #tpu.memory_space<vmem>> -> memref<128x128xf32, #tpu.memory_space<vmem>>
      %dma_start3A_215 = arith.constant 4864 : i32
      %dma_start3A_216 = tpu.memref_slice %arg7[%dma_start3A_215] : memref<5000xi32, #tpu.memory_space<vmem>> -> memref<128xi32, #tpu.memory_space<vmem>>
      %dma_start3A_217 = arith.constant 0 : i32
      %dma_start3A_218 = arith.constant 0 : i32
      %dma_start3A_219 = tpu.memref_slice %arg9[%dma_start3A_217, %dma_start3A_218] : memref<10000x128xf32, #tpu.memory_space<vmem_shared>> -> memref<10000x128xf32, #tpu.memory_space<vmem_shared>>
      tpu.enqueue_indirect_dma source(%dma_start3A_214 : memref<128x128xf32, #tpu.memory_space<vmem>>) target(%dma_start3A_219 : memref<10000x128xf32, #tpu.memory_space<vmem_shared>>) offsets(%dma_start3A_216 : memref<128xi32, #tpu.memory_space<vmem>>) semaphore(%run_scoped3A_210 : memref<!tpu.dma_semaphore, #tpu.memory_space<semaphore_mem>>) {add = true}
      %dma_wait3A_220 = arith.constant 0 : i32
      %dma_wait3A_221 = arith.constant 0 : i32
      %dma_wait3A_222 = tpu.memref_slice %arg8[%run_scoped3A_79, %dma_wait3A_220, %dma_wait3A_221] : memref<2x128x128xf32, #tpu.memory_space<vmem>> -> memref<1x128x128xf32, #tpu.memory_space<vmem>>
      %dma_wait3A_223 = tpu.memref_squeeze %dma_wait3A_222 : memref<1x128x128xf32, #tpu.memory_space<vmem>> -> memref<128x128xf32, #tpu.memory_space<vmem>>
      %dma_wait3A_224 = arith.constant 4864 : i32
      %dma_wait3A_225 = tpu.memref_slice %arg7[%dma_wait3A_224] : memref<5000xi32, #tpu.memory_space<vmem>> -> memref<128xi32, #tpu.memory_space<vmem>>
      %dma_wait3A_226 = arith.constant 0 : i32
      %dma_wait3A_227 = arith.constant 0 : i32
      %dma_wait3A_228 = tpu.memref_slice %arg9[%dma_wait3A_226, %dma_wait3A_227] : memref<10000x128xf32, #tpu.memory_space<vmem_shared>> -> memref<10000x128xf32, #tpu.memory_space<vmem_shared>>
      tpu.wait_indirect_dma semaphore(%run_scoped3A_210 : memref<!tpu.dma_semaphore, #tpu.memory_space<semaphore_mem>>) src(%dma_wait3A_223 : memref<128x128xf32, #tpu.memory_space<vmem>>) dst(%dma_wait3A_228 : memref<10000x128xf32, #tpu.memory_space<vmem_shared>>)
      tpu.yield
    }) : () -> ()
    %dma_start3A_80 = arith.constant 0 : i32
    %dma_start3A_81 = arith.constant 0 : i32
    %dma_start3A_82 = arith.constant 0 : i32
    %dma_start3A_83 = tpu.memref_slice %arg8[%dma_start3A_80, %dma_start3A_81, %dma_start3A_82] : memref<2x128x128xf32, #tpu.memory_space<vmem>> -> memref<1x8x128xf32, #tpu.memory_space<vmem>>
    %dma_start3A_84 = tpu.memref_squeeze %dma_start3A_83 : memref<1x8x128xf32, #tpu.memory_space<vmem>> -> memref<8x128xf32, #tpu.memory_space<vmem>>
    %dma_start3A_85 = arith.constant 4992 : i32
    %dma_start3A_86 = tpu.memref_slice %arg6[%dma_start3A_85] : memref<5000xi32, #tpu.memory_space<vmem>> -> memref<8xi32, #tpu.memory_space<vmem>>
    %dma_start3A_87 = arith.constant 0 : i32
    %dma_start3A_88 = arith.constant 0 : i32
    %dma_start3A_89 = tpu.memref_slice %arg2[%dma_start3A_87, %dma_start3A_88] : memref<10000x128xf32, #tpu.memory_space<hbm>> -> memref<10000x128xf32, #tpu.memory_space<hbm>>
    tpu.enqueue_indirect_dma source(%dma_start3A_89 : memref<10000x128xf32, #tpu.memory_space<hbm>>) target(%dma_start3A_84 : memref<8x128xf32, #tpu.memory_space<vmem>>) offsets(%dma_start3A_86 : memref<8xi32, #tpu.memory_space<vmem>>) semaphore(%arg10 : memref<!tpu.dma_semaphore, #tpu.memory_space<semaphore_mem>>)
    %dma_wait3A_90 = arith.constant 0 : i32
    %dma_wait3A_91 = arith.constant 0 : i32
    %dma_wait3A_92 = arith.constant 0 : i32
    %dma_wait3A_93 = tpu.memref_slice %arg8[%dma_wait3A_90, %dma_wait3A_91, %dma_wait3A_92] : memref<2x128x128xf32, #tpu.memory_space<vmem>> -> memref<1x8x128xf32, #tpu.memory_space<vmem>>
    %dma_wait3A_94 = tpu.memref_squeeze %dma_wait3A_93 : memref<1x8x128xf32, #tpu.memory_space<vmem>> -> memref<8x128xf32, #tpu.memory_space<vmem>>
    %dma_wait3A_95 = arith.constant 4992 : i32
    %dma_wait3A_96 = tpu.memref_slice %arg6[%dma_wait3A_95] : memref<5000xi32, #tpu.memory_space<vmem>> -> memref<8xi32, #tpu.memory_space<vmem>>
    %dma_wait3A_97 = arith.constant 0 : i32
    %dma_wait3A_98 = arith.constant 0 : i32
    %dma_wait3A_99 = tpu.memref_slice %arg2[%dma_wait3A_97, %dma_wait3A_98] : memref<10000x128xf32, #tpu.memory_space<hbm>> -> memref<10000x128xf32, #tpu.memory_space<hbm>>
    tpu.wait_indirect_dma semaphore(%arg10 : memref<!tpu.dma_semaphore, #tpu.memory_space<semaphore_mem>>) src(%dma_wait3A_99 : memref<10000x128xf32, #tpu.memory_space<hbm>>) dst(%dma_wait3A_94 : memref<8x128xf32, #tpu.memory_space<vmem>>)
    %run_scoped3A_100 = arith.constant 0 : i32
    "tpu.region"() ({
      %run_scoped3A_210 = tpu.sem_alloc : memref<!tpu.dma_semaphore, #tpu.memory_space<semaphore_mem>>
      %dma_start3A_211 = arith.constant 0 : i32
      %dma_start3A_212 = arith.constant 0 : i32
      %dma_start3A_213 = tpu.memref_slice %arg8[%run_scoped3A_100, %dma_start3A_211, %dma_start3A_212] : memref<2x128x128xf32, #tpu.memory_space<vmem>> -> memref<1x8x128xf32, #tpu.memory_space<vmem>>
      %dma_start3A_214 = tpu.memref_squeeze %dma_start3A_213 : memref<1x8x128xf32, #tpu.memory_space<vmem>> -> memref<8x128xf32, #tpu.memory_space<vmem>>
      %dma_start3A_215 = arith.constant 4992 : i32
      %dma_start3A_216 = tpu.memref_slice %arg7[%dma_start3A_215] : memref<5000xi32, #tpu.memory_space<vmem>> -> memref<8xi32, #tpu.memory_space<vmem>>
      %dma_start3A_217 = arith.constant 0 : i32
      %dma_start3A_218 = arith.constant 0 : i32
      %dma_start3A_219 = tpu.memref_slice %arg9[%dma_start3A_217, %dma_start3A_218] : memref<10000x128xf32, #tpu.memory_space<vmem_shared>> -> memref<10000x128xf32, #tpu.memory_space<vmem_shared>>
      tpu.enqueue_indirect_dma source(%dma_start3A_214 : memref<8x128xf32, #tpu.memory_space<vmem>>) target(%dma_start3A_219 : memref<10000x128xf32, #tpu.memory_space<vmem_shared>>) offsets(%dma_start3A_216 : memref<8xi32, #tpu.memory_space<vmem>>) semaphore(%run_scoped3A_210 : memref<!tpu.dma_semaphore, #tpu.memory_space<semaphore_mem>>) {add = true}
      %dma_wait3A_220 = arith.constant 0 : i32
      %dma_wait3A_221 = arith.constant 0 : i32
      %dma_wait3A_222 = tpu.memref_slice %arg8[%run_scoped3A_100, %dma_wait3A_220, %dma_wait3A_221] : memref<2x128x128xf32, #tpu.memory_space<vmem>> -> memref<1x8x128xf32, #tpu.memory_space<vmem>>
      %dma_wait3A_223 = tpu.memref_squeeze %dma_wait3A_222 : memref<1x8x128xf32, #tpu.memory_space<vmem>> -> memref<8x128xf32, #tpu.memory_space<vmem>>
      %dma_wait3A_224 = arith.constant 4992 : i32
      %dma_wait3A_225 = tpu.memref_slice %arg7[%dma_wait3A_224] : memref<5000xi32, #tpu.memory_space<vmem>> -> memref<8xi32, #tpu.memory_space<vmem>>
      %dma_wait3A_226 = arith.constant 0 : i32
      %dma_wait3A_227 = arith.constant 0 : i32
      %dma_wait3A_228 = tpu.memref_slice %arg9[%dma_wait3A_226, %dma_wait3A_227] : memref<10000x128xf32, #tpu.memory_space<vmem_shared>> -> memref<10000x128xf32, #tpu.memory_space<vmem_shared>>
      tpu.wait_indirect_dma semaphore(%run_scoped3A_210 : memref<!tpu.dma_semaphore, #tpu.memory_space<semaphore_mem>>) src(%dma_wait3A_223 : memref<8x128xf32, #tpu.memory_space<vmem>>) dst(%dma_wait3A_228 : memref<10000x128xf32, #tpu.memory_space<vmem_shared>>)
      tpu.yield
    }) : () -> ()
    %mul3A_101 = arith.constant 2 : i32
    %mul3A_102 = arith.muli %add3A, %mul3A_101 : i32
    %add3A_103 = arith.constant 1 : i32
    %add3A_104 = arith.addi %mul3A_102, %add3A_103 : i32
    %mul3A_105 = arith.constant 5000 : i32
    %mul3A_106 = arith.muli %add3A_104, %mul3A_105 : i32
    "tpu.region"() ({
      %run_scoped3A_210 = tpu.sem_alloc : memref<!tpu.dma_semaphore, #tpu.memory_space<semaphore_mem>>
      %dma_start3A_211 = tpu.memref_slice %arg3[%mul3A_106] : memref<640000xi32, #tpu.memory_space<hbm>> -> memref<5000xi32, #tpu.memory_space<hbm>>
      %dma_start3A_212 = tpu.memref_slice %arg3[%mul3A_106] : memref<640000xi32, #tpu.memory_space<hbm>> -> memref<5000xi32, #tpu.memory_space<hbm>>
      tpu.enqueue_dma source(%dma_start3A_212 : memref<5000xi32, #tpu.memory_space<hbm>>) target(%arg6 : memref<5000xi32, #tpu.memory_space<vmem>>) target_semaphore(%run_scoped3A_210 : memref<!tpu.dma_semaphore, #tpu.memory_space<semaphore_mem>>)
      %dma_wait3A_213 = tpu.memref_slice %arg3[%mul3A_106] : memref<640000xi32, #tpu.memory_space<hbm>> -> memref<5000xi32, #tpu.memory_space<hbm>>
      %dma_wait3A_214 = tpu.memref_slice %arg3[%mul3A_106] : memref<640000xi32, #tpu.memory_space<hbm>> -> memref<5000xi32, #tpu.memory_space<hbm>>
      tpu.wait_dma2 semaphore(%run_scoped3A_210 : memref<!tpu.dma_semaphore, #tpu.memory_space<semaphore_mem>>) src(%dma_wait3A_214 : memref<5000xi32, #tpu.memory_space<hbm>>) dst(%arg6 : memref<5000xi32, #tpu.memory_space<vmem>>)
      tpu.yield
    }) : () -> ()
    %add3A_107 = arith.constant 320000 : i32
    %add3A_108 = arith.addi %add3A_107, %mul3A_106 : i32
    "tpu.region"() ({
      %run_scoped3A_210 = tpu.sem_alloc : memref<!tpu.dma_semaphore, #tpu.memory_space<semaphore_mem>>
      %dma_start3A_211 = tpu.memref_slice %arg3[%add3A_108] : memref<640000xi32, #tpu.memory_space<hbm>> -> memref<5000xi32, #tpu.memory_space<hbm>>
      %dma_start3A_212 = tpu.memref_slice %arg3[%add3A_108] : memref<640000xi32, #tpu.memory_space<hbm>> -> memref<5000xi32, #tpu.memory_space<hbm>>
      tpu.enqueue_dma source(%dma_start3A_212 : memref<5000xi32, #tpu.memory_space<hbm>>) target(%arg7 : memref<5000xi32, #tpu.memory_space<vmem>>) target_semaphore(%run_scoped3A_210 : memref<!tpu.dma_semaphore, #tpu.memory_space<semaphore_mem>>)
      %dma_wait3A_213 = tpu.memref_slice %arg3[%add3A_108] : memref<640000xi32, #tpu.memory_space<hbm>> -> memref<5000xi32, #tpu.memory_space<hbm>>
      %dma_wait3A_214 = tpu.memref_slice %arg3[%add3A_108] : memref<640000xi32, #tpu.memory_space<hbm>> -> memref<5000xi32, #tpu.memory_space<hbm>>
      tpu.wait_dma2 semaphore(%run_scoped3A_210 : memref<!tpu.dma_semaphore, #tpu.memory_space<semaphore_mem>>) src(%dma_wait3A_214 : memref<5000xi32, #tpu.memory_space<hbm>>) dst(%arg7 : memref<5000xi32, #tpu.memory_space<vmem>>)
      tpu.yield
    }) : () -> ()
    %dma_start3A_109 = arith.constant 0 : i32
    %dma_start3A_110 = arith.constant 0 : i32
    %dma_start3A_111 = arith.constant 0 : i32
    %dma_start3A_112 = tpu.memref_slice %arg8[%dma_start3A_109, %dma_start3A_110, %dma_start3A_111] : memref<2x128x128xf32, #tpu.memory_space<vmem>> -> memref<1x128x128xf32, #tpu.memory_space<vmem>>
    %dma_start3A_113 = tpu.memref_squeeze %dma_start3A_112 : memref<1x128x128xf32, #tpu.memory_space<vmem>> -> memref<128x128xf32, #tpu.memory_space<vmem>>
    %dma_start3A_114 = arith.constant 0 : i32
    %dma_start3A_115 = tpu.memref_slice %arg6[%dma_start3A_114] : memref<5000xi32, #tpu.memory_space<vmem>> -> memref<128xi32, #tpu.memory_space<vmem>>
    %dma_start3A_116 = arith.constant 0 : i32
    %dma_start3A_117 = arith.constant 0 : i32
    %dma_start3A_118 = tpu.memref_slice %arg2[%dma_start3A_116, %dma_start3A_117] : memref<10000x128xf32, #tpu.memory_space<hbm>> -> memref<10000x128xf32, #tpu.memory_space<hbm>>
    tpu.enqueue_indirect_dma source(%dma_start3A_118 : memref<10000x128xf32, #tpu.memory_space<hbm>>) target(%dma_start3A_113 : memref<128x128xf32, #tpu.memory_space<vmem>>) offsets(%dma_start3A_115 : memref<128xi32, #tpu.memory_space<vmem>>) semaphore(%arg10 : memref<!tpu.dma_semaphore, #tpu.memory_space<semaphore_mem>>)
    %dma_start3A_119 = arith.constant 1 : i32
    %dma_start3A_120 = arith.constant 0 : i32
    %dma_start3A_121 = arith.constant 0 : i32
    %dma_start3A_122 = tpu.memref_slice %arg8[%dma_start3A_119, %dma_start3A_120, %dma_start3A_121] : memref<2x128x128xf32, #tpu.memory_space<vmem>> -> memref<1x128x128xf32, #tpu.memory_space<vmem>>
    %dma_start3A_123 = tpu.memref_squeeze %dma_start3A_122 : memref<1x128x128xf32, #tpu.memory_space<vmem>> -> memref<128x128xf32, #tpu.memory_space<vmem>>
    %dma_start3A_124 = arith.constant 128 : i32
    %dma_start3A_125 = tpu.memref_slice %arg6[%dma_start3A_124] : memref<5000xi32, #tpu.memory_space<vmem>> -> memref<128xi32, #tpu.memory_space<vmem>>
    %dma_start3A_126 = arith.constant 0 : i32
    %dma_start3A_127 = arith.constant 0 : i32
    %dma_start3A_128 = tpu.memref_slice %arg2[%dma_start3A_126, %dma_start3A_127] : memref<10000x128xf32, #tpu.memory_space<hbm>> -> memref<10000x128xf32, #tpu.memory_space<hbm>>
    tpu.enqueue_indirect_dma source(%dma_start3A_128 : memref<10000x128xf32, #tpu.memory_space<hbm>>) target(%dma_start3A_123 : memref<128x128xf32, #tpu.memory_space<vmem>>) offsets(%dma_start3A_125 : memref<128xi32, #tpu.memory_space<vmem>>) semaphore(%arg11 : memref<!tpu.dma_semaphore, #tpu.memory_space<semaphore_mem>>)
    %scan3A_129 = arith.constant 0 : i32
    %scan3A_130 = arith.constant 0 : i32
    %scan3A_131 = arith.constant 18 : i32
    %scan3A_132 = arith.addi %scan3A_130, %scan3A_131 : i32
    %scan3A_133 = arith.constant 1 : i32
    scf.for %scan3A_210 = %scan3A_130 to %scan3A_132 step %scan3A_133  : i32 {
      %mul3A_211 = arith.constant 2 : i32
      %mul3A_212 = arith.muli %scan3A_210, %mul3A_211 : i32
      %add3A_213 = arith.constant 0 : i32
      %add3A_214 = arith.addi %mul3A_212, %add3A_213 : i32
      %mul3A_215 = arith.constant 128 : i32
      %mul3A_216 = arith.muli %add3A_214, %mul3A_215 : i32
      %dma_wait3A_217 = arith.constant 0 : i32
      %dma_wait3A_218 = arith.constant 0 : i32
      %dma_wait3A_219 = arith.constant 0 : i32
      %dma_wait3A_220 = tpu.memref_slice %arg8[%dma_wait3A_217, %dma_wait3A_218, %dma_wait3A_219] : memref<2x128x128xf32, #tpu.memory_space<vmem>> -> memref<1x128x128xf32, #tpu.memory_space<vmem>>
      %dma_wait3A_221 = tpu.memref_squeeze %dma_wait3A_220 : memref<1x128x128xf32, #tpu.memory_space<vmem>> -> memref<128x128xf32, #tpu.memory_space<vmem>>
      %dma_wait3A_222 = tpu.memref_slice %arg6[%mul3A_216] : memref<5000xi32, #tpu.memory_space<vmem>> -> memref<128xi32, #tpu.memory_space<vmem>>
      %dma_wait3A_223 = arith.constant 0 : i32
      %dma_wait3A_224 = arith.constant 0 : i32
      %dma_wait3A_225 = tpu.memref_slice %arg2[%dma_wait3A_223, %dma_wait3A_224] : memref<10000x128xf32, #tpu.memory_space<hbm>> -> memref<10000x128xf32, #tpu.memory_space<hbm>>
      tpu.wait_indirect_dma semaphore(%arg10 : memref<!tpu.dma_semaphore, #tpu.memory_space<semaphore_mem>>) src(%dma_wait3A_225 : memref<10000x128xf32, #tpu.memory_space<hbm>>) dst(%dma_wait3A_221 : memref<128x128xf32, #tpu.memory_space<vmem>>)
      %mul3A_226 = arith.constant 128 : i32
      %mul3A_227 = arith.muli %add3A_214, %mul3A_226 : i32
      %run_scoped3A_228 = arith.constant 0 : i32
      "tpu.region"() ({
        %run_scoped3A_273 = tpu.sem_alloc : memref<!tpu.dma_semaphore, #tpu.memory_space<semaphore_mem>>
        %dma_start3A_274 = arith.constant 0 : i32
        %dma_start3A_275 = arith.constant 0 : i32
        %dma_start3A_276 = tpu.memref_slice %arg8[%run_scoped3A_228, %dma_start3A_274, %dma_start3A_275] : memref<2x128x128xf32, #tpu.memory_space<vmem>> -> memref<1x128x128xf32, #tpu.memory_space<vmem>>
        %dma_start3A_277 = tpu.memref_squeeze %dma_start3A_276 : memref<1x128x128xf32, #tpu.memory_space<vmem>> -> memref<128x128xf32, #tpu.memory_space<vmem>>
        %dma_start3A_278 = tpu.memref_slice %arg7[%mul3A_227] : memref<5000xi32, #tpu.memory_space<vmem>> -> memref<128xi32, #tpu.memory_space<vmem>>
        %dma_start3A_279 = arith.constant 0 : i32
        %dma_start3A_280 = arith.constant 0 : i32
        %dma_start3A_281 = tpu.memref_slice %arg9[%dma_start3A_279, %dma_start3A_280] : memref<10000x128xf32, #tpu.memory_space<vmem_shared>> -> memref<10000x128xf32, #tpu.memory_space<vmem_shared>>
        tpu.enqueue_indirect_dma source(%dma_start3A_277 : memref<128x128xf32, #tpu.memory_space<vmem>>) target(%dma_start3A_281 : memref<10000x128xf32, #tpu.memory_space<vmem_shared>>) offsets(%dma_start3A_278 : memref<128xi32, #tpu.memory_space<vmem>>) semaphore(%run_scoped3A_273 : memref<!tpu.dma_semaphore, #tpu.memory_space<semaphore_mem>>) {add = true}
        %dma_wait3A_282 = arith.constant 0 : i32
        %dma_wait3A_283 = arith.constant 0 : i32
        %dma_wait3A_284 = tpu.memref_slice %arg8[%run_scoped3A_228, %dma_wait3A_282, %dma_wait3A_283] : memref<2x128x128xf32, #tpu.memory_space<vmem>> -> memref<1x128x128xf32, #tpu.memory_space<vmem>>
        %dma_wait3A_285 = tpu.memref_squeeze %dma_wait3A_284 : memref<1x128x128xf32, #tpu.memory_space<vmem>> -> memref<128x128xf32, #tpu.memory_space<vmem>>
        %dma_wait3A_286 = tpu.memref_slice %arg7[%mul3A_227] : memref<5000xi32, #tpu.memory_space<vmem>> -> memref<128xi32, #tpu.memory_space<vmem>>
        %dma_wait3A_287 = arith.constant 0 : i32
        %dma_wait3A_288 = arith.constant 0 : i32
        %dma_wait3A_289 = tpu.memref_slice %arg9[%dma_wait3A_287, %dma_wait3A_288] : memref<10000x128xf32, #tpu.memory_space<vmem_shared>> -> memref<10000x128xf32, #tpu.memory_space<vmem_shared>>
        tpu.wait_indirect_dma semaphore(%run_scoped3A_273 : memref<!tpu.dma_semaphore, #tpu.memory_space<semaphore_mem>>) src(%dma_wait3A_285 : memref<128x128xf32, #tpu.memory_space<vmem>>) dst(%dma_wait3A_289 : memref<10000x128xf32, #tpu.memory_space<vmem_shared>>)
        tpu.yield
      }) : () -> ()
      %add3A_229 = arith.constant 2 : i32
      %add3A_230 = arith.addi %add3A_214, %add3A_229 : i32
      %mul3A_231 = arith.constant 128 : i32
      %mul3A_232 = arith.muli %add3A_230, %mul3A_231 : i32
      %dma_start3A_233 = arith.constant 0 : i32
      %dma_start3A_234 = arith.constant 0 : i32
      %dma_start3A_235 = arith.constant 0 : i32
      %dma_start3A_236 = tpu.memref_slice %arg8[%dma_start3A_233, %dma_start3A_234, %dma_start3A_235] : memref<2x128x128xf32, #tpu.memory_space<vmem>> -> memref<1x128x128xf32, #tpu.memory_space<vmem>>
      %dma_start3A_237 = tpu.memref_squeeze %dma_start3A_236 : memref<1x128x128xf32, #tpu.memory_space<vmem>> -> memref<128x128xf32, #tpu.memory_space<vmem>>
      %dma_start3A_238 = tpu.memref_slice %arg6[%mul3A_232] : memref<5000xi32, #tpu.memory_space<vmem>> -> memref<128xi32, #tpu.memory_space<vmem>>
      %dma_start3A_239 = arith.constant 0 : i32
      %dma_start3A_240 = arith.constant 0 : i32
      %dma_start3A_241 = tpu.memref_slice %arg2[%dma_start3A_239, %dma_start3A_240] : memref<10000x128xf32, #tpu.memory_space<hbm>> -> memref<10000x128xf32, #tpu.memory_space<hbm>>
      tpu.enqueue_indirect_dma source(%dma_start3A_241 : memref<10000x128xf32, #tpu.memory_space<hbm>>) target(%dma_start3A_237 : memref<128x128xf32, #tpu.memory_space<vmem>>) offsets(%dma_start3A_238 : memref<128xi32, #tpu.memory_space<vmem>>) semaphore(%arg10 : memref<!tpu.dma_semaphore, #tpu.memory_space<semaphore_mem>>)
      %mul3A_242 = arith.constant 2 : i32
      %mul3A_243 = arith.muli %scan3A_210, %mul3A_242 : i32
      %add3A_244 = arith.constant 1 : i32
      %add3A_245 = arith.addi %mul3A_243, %add3A_244 : i32
      %mul3A_246 = arith.constant 128 : i32
      %mul3A_247 = arith.muli %add3A_245, %mul3A_246 : i32
      %dma_wait3A_248 = arith.constant 1 : i32
      %dma_wait3A_249 = arith.constant 0 : i32
      %dma_wait3A_250 = arith.constant 0 : i32
      %dma_wait3A_251 = tpu.memref_slice %arg8[%dma_wait3A_248, %dma_wait3A_249, %dma_wait3A_250] : memref<2x128x128xf32, #tpu.memory_space<vmem>> -> memref<1x128x128xf32, #tpu.memory_space<vmem>>
      %dma_wait3A_252 = tpu.memref_squeeze %dma_wait3A_251 : memref<1x128x128xf32, #tpu.memory_space<vmem>> -> memref<128x128xf32, #tpu.memory_space<vmem>>
      %dma_wait3A_253 = tpu.memref_slice %arg6[%mul3A_247] : memref<5000xi32, #tpu.memory_space<vmem>> -> memref<128xi32, #tpu.memory_space<vmem>>
      %dma_wait3A_254 = arith.constant 0 : i32
      %dma_wait3A_255 = arith.constant 0 : i32
      %dma_wait3A_256 = tpu.memref_slice %arg2[%dma_wait3A_254, %dma_wait3A_255] : memref<10000x128xf32, #tpu.memory_space<hbm>> -> memref<10000x128xf32, #tpu.memory_space<hbm>>
      tpu.wait_indirect_dma semaphore(%arg11 : memref<!tpu.dma_semaphore, #tpu.memory_space<semaphore_mem>>) src(%dma_wait3A_256 : memref<10000x128xf32, #tpu.memory_space<hbm>>) dst(%dma_wait3A_252 : memref<128x128xf32, #tpu.memory_space<vmem>>)
      %mul3A_257 = arith.constant 128 : i32
      %mul3A_258 = arith.muli %add3A_245, %mul3A_257 : i32
      %run_scoped3A_259 = arith.constant 1 : i32
      "tpu.region"() ({
        %run_scoped3A_273 = tpu.sem_alloc : memref<!tpu.dma_semaphore, #tpu.memory_space<semaphore_mem>>
        %dma_start3A_274 = arith.constant 0 : i32
        %dma_start3A_275 = arith.constant 0 : i32
        %dma_start3A_276 = tpu.memref_slice %arg8[%run_scoped3A_259, %dma_start3A_274, %dma_start3A_275] : memref<2x128x128xf32, #tpu.memory_space<vmem>> -> memref<1x128x128xf32, #tpu.memory_space<vmem>>
        %dma_start3A_277 = tpu.memref_squeeze %dma_start3A_276 : memref<1x128x128xf32, #tpu.memory_space<vmem>> -> memref<128x128xf32, #tpu.memory_space<vmem>>
        %dma_start3A_278 = tpu.memref_slice %arg7[%mul3A_258] : memref<5000xi32, #tpu.memory_space<vmem>> -> memref<128xi32, #tpu.memory_space<vmem>>
        %dma_start3A_279 = arith.constant 0 : i32
        %dma_start3A_280 = arith.constant 0 : i32
        %dma_start3A_281 = tpu.memref_slice %arg9[%dma_start3A_279, %dma_start3A_280] : memref<10000x128xf32, #tpu.memory_space<vmem_shared>> -> memref<10000x128xf32, #tpu.memory_space<vmem_shared>>
        tpu.enqueue_indirect_dma source(%dma_start3A_277 : memref<128x128xf32, #tpu.memory_space<vmem>>) target(%dma_start3A_281 : memref<10000x128xf32, #tpu.memory_space<vmem_shared>>) offsets(%dma_start3A_278 : memref<128xi32, #tpu.memory_space<vmem>>) semaphore(%run_scoped3A_273 : memref<!tpu.dma_semaphore, #tpu.memory_space<semaphore_mem>>) {add = true}
        %dma_wait3A_282 = arith.constant 0 : i32
        %dma_wait3A_283 = arith.constant 0 : i32
        %dma_wait3A_284 = tpu.memref_slice %arg8[%run_scoped3A_259, %dma_wait3A_282, %dma_wait3A_283] : memref<2x128x128xf32, #tpu.memory_space<vmem>> -> memref<1x128x128xf32, #tpu.memory_space<vmem>>
        %dma_wait3A_285 = tpu.memref_squeeze %dma_wait3A_284 : memref<1x128x128xf32, #tpu.memory_space<vmem>> -> memref<128x128xf32, #tpu.memory_space<vmem>>
        %dma_wait3A_286 = tpu.memref_slice %arg7[%mul3A_258] : memref<5000xi32, #tpu.memory_space<vmem>> -> memref<128xi32, #tpu.memory_space<vmem>>
        %dma_wait3A_287 = arith.constant 0 : i32
        %dma_wait3A_288 = arith.constant 0 : i32
        %dma_wait3A_289 = tpu.memref_slice %arg9[%dma_wait3A_287, %dma_wait3A_288] : memref<10000x128xf32, #tpu.memory_space<vmem_shared>> -> memref<10000x128xf32, #tpu.memory_space<vmem_shared>>
        tpu.wait_indirect_dma semaphore(%run_scoped3A_273 : memref<!tpu.dma_semaphore, #tpu.memory_space<semaphore_mem>>) src(%dma_wait3A_285 : memref<128x128xf32, #tpu.memory_space<vmem>>) dst(%dma_wait3A_289 : memref<10000x128xf32, #tpu.memory_space<vmem_shared>>)
        tpu.yield
      }) : () -> ()
      %add3A_260 = arith.constant 2 : i32
      %add3A_261 = arith.addi %add3A_245, %add3A_260 : i32
      %mul3A_262 = arith.constant 128 : i32
      %mul3A_263 = arith.muli %add3A_261, %mul3A_262 : i32
      %dma_start3A_264 = arith.constant 1 : i32
      %dma_start3A_265 = arith.constant 0 : i32
      %dma_start3A_266 = arith.constant 0 : i32
      %dma_start3A_267 = tpu.memref_slice %arg8[%dma_start3A_264, %dma_start3A_265, %dma_start3A_266] : memref<2x128x128xf32, #tpu.memory_space<vmem>> -> memref<1x128x128xf32, #tpu.memory_space<vmem>>
      %dma_start3A_268 = tpu.memref_squeeze %dma_start3A_267 : memref<1x128x128xf32, #tpu.memory_space<vmem>> -> memref<128x128xf32, #tpu.memory_space<vmem>>
      %dma_start3A_269 = tpu.memref_slice %arg6[%mul3A_263] : memref<5000xi32, #tpu.memory_space<vmem>> -> memref<128xi32, #tpu.memory_space<vmem>>
      %dma_start3A_270 = arith.constant 0 : i32
      %dma_start3A_271 = arith.constant 0 : i32
      %dma_start3A_272 = tpu.memref_slice %arg2[%dma_start3A_270, %dma_start3A_271] : memref<10000x128xf32, #tpu.memory_space<hbm>> -> memref<10000x128xf32, #tpu.memory_space<hbm>>
      tpu.enqueue_indirect_dma source(%dma_start3A_272 : memref<10000x128xf32, #tpu.memory_space<hbm>>) target(%dma_start3A_268 : memref<128x128xf32, #tpu.memory_space<vmem>>) offsets(%dma_start3A_269 : memref<128xi32, #tpu.memory_space<vmem>>) semaphore(%arg11 : memref<!tpu.dma_semaphore, #tpu.memory_space<semaphore_mem>>)
    }
    %scan3A_134 = arith.constant 18 : i32
    %dma_wait3A_135 = arith.constant 0 : i32
    %dma_wait3A_136 = arith.constant 0 : i32
    %dma_wait3A_137 = arith.constant 0 : i32
    %dma_wait3A_138 = tpu.memref_slice %arg8[%dma_wait3A_135, %dma_wait3A_136, %dma_wait3A_137] : memref<2x128x128xf32, #tpu.memory_space<vmem>> -> memref<1x128x128xf32, #tpu.memory_space<vmem>>
    %dma_wait3A_139 = tpu.memref_squeeze %dma_wait3A_138 : memref<1x128x128xf32, #tpu.memory_space<vmem>> -> memref<128x128xf32, #tpu.memory_space<vmem>>
    %dma_wait3A_140 = arith.constant 4608 : i32
    %dma_wait3A_141 = tpu.memref_slice %arg6[%dma_wait3A_140] : memref<5000xi32, #tpu.memory_space<vmem>> -> memref<128xi32, #tpu.memory_space<vmem>>
    %dma_wait3A_142 = arith.constant 0 : i32
    %dma_wait3A_143 = arith.constant 0 : i32
    %dma_wait3A_144 = tpu.memref_slice %arg2[%dma_wait3A_142, %dma_wait3A_143] : memref<10000x128xf32, #tpu.memory_space<hbm>> -> memref<10000x128xf32, #tpu.memory_space<hbm>>
    tpu.wait_indirect_dma semaphore(%arg10 : memref<!tpu.dma_semaphore, #tpu.memory_space<semaphore_mem>>) src(%dma_wait3A_144 : memref<10000x128xf32, #tpu.memory_space<hbm>>) dst(%dma_wait3A_139 : memref<128x128xf32, #tpu.memory_space<vmem>>)
    %run_scoped3A_145 = arith.constant 0 : i32
    "tpu.region"() ({
      %run_scoped3A_210 = tpu.sem_alloc : memref<!tpu.dma_semaphore, #tpu.memory_space<semaphore_mem>>
      %dma_start3A_211 = arith.constant 0 : i32
      %dma_start3A_212 = arith.constant 0 : i32
      %dma_start3A_213 = tpu.memref_slice %arg8[%run_scoped3A_145, %dma_start3A_211, %dma_start3A_212] : memref<2x128x128xf32, #tpu.memory_space<vmem>> -> memref<1x128x128xf32, #tpu.memory_space<vmem>>
      %dma_start3A_214 = tpu.memref_squeeze %dma_start3A_213 : memref<1x128x128xf32, #tpu.memory_space<vmem>> -> memref<128x128xf32, #tpu.memory_space<vmem>>
      %dma_start3A_215 = arith.constant 4608 : i32
      %dma_start3A_216 = tpu.memref_slice %arg7[%dma_start3A_215] : memref<5000xi32, #tpu.memory_space<vmem>> -> memref<128xi32, #tpu.memory_space<vmem>>
      %dma_start3A_217 = arith.constant 0 : i32
      %dma_start3A_218 = arith.constant 0 : i32
      %dma_start3A_219 = tpu.memref_slice %arg9[%dma_start3A_217, %dma_start3A_218] : memref<10000x128xf32, #tpu.memory_space<vmem_shared>> -> memref<10000x128xf32, #tpu.memory_space<vmem_shared>>
      tpu.enqueue_indirect_dma source(%dma_start3A_214 : memref<128x128xf32, #tpu.memory_space<vmem>>) target(%dma_start3A_219 : memref<10000x128xf32, #tpu.memory_space<vmem_shared>>) offsets(%dma_start3A_216 : memref<128xi32, #tpu.memory_space<vmem>>) semaphore(%run_scoped3A_210 : memref<!tpu.dma_semaphore, #tpu.memory_space<semaphore_mem>>) {add = true}
      %dma_wait3A_220 = arith.constant 0 : i32
      %dma_wait3A_221 = arith.constant 0 : i32
      %dma_wait3A_222 = tpu.memref_slice %arg8[%run_scoped3A_145, %dma_wait3A_220, %dma_wait3A_221] : memref<2x128x128xf32, #tpu.memory_space<vmem>> -> memref<1x128x128xf32, #tpu.memory_space<vmem>>
      %dma_wait3A_223 = tpu.memref_squeeze %dma_wait3A_222 : memref<1x128x128xf32, #tpu.memory_space<vmem>> -> memref<128x128xf32, #tpu.memory_space<vmem>>
      %dma_wait3A_224 = arith.constant 4608 : i32
      %dma_wait3A_225 = tpu.memref_slice %arg7[%dma_wait3A_224] : memref<5000xi32, #tpu.memory_space<vmem>> -> memref<128xi32, #tpu.memory_space<vmem>>
      %dma_wait3A_226 = arith.constant 0 : i32
      %dma_wait3A_227 = arith.constant 0 : i32
      %dma_wait3A_228 = tpu.memref_slice %arg9[%dma_wait3A_226, %dma_wait3A_227] : memref<10000x128xf32, #tpu.memory_space<vmem_shared>> -> memref<10000x128xf32, #tpu.memory_space<vmem_shared>>
      tpu.wait_indirect_dma semaphore(%run_scoped3A_210 : memref<!tpu.dma_semaphore, #tpu.memory_space<semaphore_mem>>) src(%dma_wait3A_223 : memref<128x128xf32, #tpu.memory_space<vmem>>) dst(%dma_wait3A_228 : memref<10000x128xf32, #tpu.memory_space<vmem_shared>>)
      tpu.yield
    }) : () -> ()
    %dma_start3A_146 = arith.constant 0 : i32
    %dma_start3A_147 = arith.constant 0 : i32
    %dma_start3A_148 = arith.constant 0 : i32
    %dma_start3A_149 = tpu.memref_slice %arg8[%dma_start3A_146, %dma_start3A_147, %dma_start3A_148] : memref<2x128x128xf32, #tpu.memory_space<vmem>> -> memref<1x128x128xf32, #tpu.memory_space<vmem>>
    %dma_start3A_150 = tpu.memref_squeeze %dma_start3A_149 : memref<1x128x128xf32, #tpu.memory_space<vmem>> -> memref<128x128xf32, #tpu.memory_space<vmem>>
    %dma_start3A_151 = arith.constant 4864 : i32
    %dma_start3A_152 = tpu.memref_slice %arg6[%dma_start3A_151] : memref<5000xi32, #tpu.memory_space<vmem>> -> memref<128xi32, #tpu.memory_space<vmem>>
    %dma_start3A_153 = arith.constant 0 : i32
    %dma_start3A_154 = arith.constant 0 : i32
    %dma_start3A_155 = tpu.memref_slice %arg2[%dma_start3A_153, %dma_start3A_154] : memref<10000x128xf32, #tpu.memory_space<hbm>> -> memref<10000x128xf32, #tpu.memory_space<hbm>>
    tpu.enqueue_indirect_dma source(%dma_start3A_155 : memref<10000x128xf32, #tpu.memory_space<hbm>>) target(%dma_start3A_150 : memref<128x128xf32, #tpu.memory_space<vmem>>) offsets(%dma_start3A_152 : memref<128xi32, #tpu.memory_space<vmem>>) semaphore(%arg10 : memref<!tpu.dma_semaphore, #tpu.memory_space<semaphore_mem>>)
    %dma_wait3A_156 = arith.constant 1 : i32
    %dma_wait3A_157 = arith.constant 0 : i32
    %dma_wait3A_158 = arith.constant 0 : i32
    %dma_wait3A_159 = tpu.memref_slice %arg8[%dma_wait3A_156, %dma_wait3A_157, %dma_wait3A_158] : memref<2x128x128xf32, #tpu.memory_space<vmem>> -> memref<1x128x128xf32, #tpu.memory_space<vmem>>
    %dma_wait3A_160 = tpu.memref_squeeze %dma_wait3A_159 : memref<1x128x128xf32, #tpu.memory_space<vmem>> -> memref<128x128xf32, #tpu.memory_space<vmem>>
    %dma_wait3A_161 = arith.constant 4736 : i32
    %dma_wait3A_162 = tpu.memref_slice %arg6[%dma_wait3A_161] : memref<5000xi32, #tpu.memory_space<vmem>> -> memref<128xi32, #tpu.memory_space<vmem>>
    %dma_wait3A_163 = arith.constant 0 : i32
    %dma_wait3A_164 = arith.constant 0 : i32
    %dma_wait3A_165 = tpu.memref_slice %arg2[%dma_wait3A_163, %dma_wait3A_164] : memref<10000x128xf32, #tpu.memory_space<hbm>> -> memref<10000x128xf32, #tpu.memory_space<hbm>>
    tpu.wait_indirect_dma semaphore(%arg11 : memref<!tpu.dma_semaphore, #tpu.memory_space<semaphore_mem>>) src(%dma_wait3A_165 : memref<10000x128xf32, #tpu.memory_space<hbm>>) dst(%dma_wait3A_160 : memref<128x128xf32, #tpu.memory_space<vmem>>)
    %run_scoped3A_166 = arith.constant 1 : i32
    "tpu.region"() ({
      %run_scoped3A_210 = tpu.sem_alloc : memref<!tpu.dma_semaphore, #tpu.memory_space<semaphore_mem>>
      %dma_start3A_211 = arith.constant 0 : i32
      %dma_start3A_212 = arith.constant 0 : i32
      %dma_start3A_213 = tpu.memref_slice %arg8[%run_scoped3A_166, %dma_start3A_211, %dma_start3A_212] : memref<2x128x128xf32, #tpu.memory_space<vmem>> -> memref<1x128x128xf32, #tpu.memory_space<vmem>>
      %dma_start3A_214 = tpu.memref_squeeze %dma_start3A_213 : memref<1x128x128xf32, #tpu.memory_space<vmem>> -> memref<128x128xf32, #tpu.memory_space<vmem>>
      %dma_start3A_215 = arith.constant 4736 : i32
      %dma_start3A_216 = tpu.memref_slice %arg7[%dma_start3A_215] : memref<5000xi32, #tpu.memory_space<vmem>> -> memref<128xi32, #tpu.memory_space<vmem>>
      %dma_start3A_217 = arith.constant 0 : i32
      %dma_start3A_218 = arith.constant 0 : i32
      %dma_start3A_219 = tpu.memref_slice %arg9[%dma_start3A_217, %dma_start3A_218] : memref<10000x128xf32, #tpu.memory_space<vmem_shared>> -> memref<10000x128xf32, #tpu.memory_space<vmem_shared>>
      tpu.enqueue_indirect_dma source(%dma_start3A_214 : memref<128x128xf32, #tpu.memory_space<vmem>>) target(%dma_start3A_219 : memref<10000x128xf32, #tpu.memory_space<vmem_shared>>) offsets(%dma_start3A_216 : memref<128xi32, #tpu.memory_space<vmem>>) semaphore(%run_scoped3A_210 : memref<!tpu.dma_semaphore, #tpu.memory_space<semaphore_mem>>) {add = true}
      %dma_wait3A_220 = arith.constant 0 : i32
      %dma_wait3A_221 = arith.constant 0 : i32
      %dma_wait3A_222 = tpu.memref_slice %arg8[%run_scoped3A_166, %dma_wait3A_220, %dma_wait3A_221] : memref<2x128x128xf32, #tpu.memory_space<vmem>> -> memref<1x128x128xf32, #tpu.memory_space<vmem>>
      %dma_wait3A_223 = tpu.memref_squeeze %dma_wait3A_222 : memref<1x128x128xf32, #tpu.memory_space<vmem>> -> memref<128x128xf32, #tpu.memory_space<vmem>>
      %dma_wait3A_224 = arith.constant 4736 : i32
      %dma_wait3A_225 = tpu.memref_slice %arg7[%dma_wait3A_224] : memref<5000xi32, #tpu.memory_space<vmem>> -> memref<128xi32, #tpu.memory_space<vmem>>
      %dma_wait3A_226 = arith.constant 0 : i32
      %dma_wait3A_227 = arith.constant 0 : i32
      %dma_wait3A_228 = tpu.memref_slice %arg9[%dma_wait3A_226, %dma_wait3A_227] : memref<10000x128xf32, #tpu.memory_space<vmem_shared>> -> memref<10000x128xf32, #tpu.memory_space<vmem_shared>>
      tpu.wait_indirect_dma semaphore(%run_scoped3A_210 : memref<!tpu.dma_semaphore, #tpu.memory_space<semaphore_mem>>) src(%dma_wait3A_223 : memref<128x128xf32, #tpu.memory_space<vmem>>) dst(%dma_wait3A_228 : memref<10000x128xf32, #tpu.memory_space<vmem_shared>>)
      tpu.yield
    }) : () -> ()
    %dma_wait3A_167 = arith.constant 0 : i32
    %dma_wait3A_168 = arith.constant 0 : i32
    %dma_wait3A_169 = arith.constant 0 : i32
    %dma_wait3A_170 = tpu.memref_slice %arg8[%dma_wait3A_167, %dma_wait3A_168, %dma_wait3A_169] : memref<2x128x128xf32, #tpu.memory_space<vmem>> -> memref<1x128x128xf32, #tpu.memory_space<vmem>>
    %dma_wait3A_171 = tpu.memref_squeeze %dma_wait3A_170 : memref<1x128x128xf32, #tpu.memory_space<vmem>> -> memref<128x128xf32, #tpu.memory_space<vmem>>
    %dma_wait3A_172 = arith.constant 4864 : i32
    %dma_wait3A_173 = tpu.memref_slice %arg6[%dma_wait3A_172] : memref<5000xi32, #tpu.memory_space<vmem>> -> memref<128xi32, #tpu.memory_space<vmem>>
    %dma_wait3A_174 = arith.constant 0 : i32
    %dma_wait3A_175 = arith.constant 0 : i32
    %dma_wait3A_176 = tpu.memref_slice %arg2[%dma_wait3A_174, %dma_wait3A_175] : memref<10000x128xf32, #tpu.memory_space<hbm>> -> memref<10000x128xf32, #tpu.memory_space<hbm>>
    tpu.wait_indirect_dma semaphore(%arg10 : memref<!tpu.dma_semaphore, #tpu.memory_space<semaphore_mem>>) src(%dma_wait3A_176 : memref<10000x128xf32, #tpu.memory_space<hbm>>) dst(%dma_wait3A_171 : memref<128x128xf32, #tpu.memory_space<vmem>>)
    %run_scoped3A_177 = arith.constant 0 : i32
    "tpu.region"() ({
      %run_scoped3A_210 = tpu.sem_alloc : memref<!tpu.dma_semaphore, #tpu.memory_space<semaphore_mem>>
      %dma_start3A_211 = arith.constant 0 : i32
      %dma_start3A_212 = arith.constant 0 : i32
      %dma_start3A_213 = tpu.memref_slice %arg8[%run_scoped3A_177, %dma_start3A_211, %dma_start3A_212] : memref<2x128x128xf32, #tpu.memory_space<vmem>> -> memref<1x128x128xf32, #tpu.memory_space<vmem>>
      %dma_start3A_214 = tpu.memref_squeeze %dma_start3A_213 : memref<1x128x128xf32, #tpu.memory_space<vmem>> -> memref<128x128xf32, #tpu.memory_space<vmem>>
      %dma_start3A_215 = arith.constant 4864 : i32
      %dma_start3A_216 = tpu.memref_slice %arg7[%dma_start3A_215] : memref<5000xi32, #tpu.memory_space<vmem>> -> memref<128xi32, #tpu.memory_space<vmem>>
      %dma_start3A_217 = arith.constant 0 : i32
      %dma_start3A_218 = arith.constant 0 : i32
      %dma_start3A_219 = tpu.memref_slice %arg9[%dma_start3A_217, %dma_start3A_218] : memref<10000x128xf32, #tpu.memory_space<vmem_shared>> -> memref<10000x128xf32, #tpu.memory_space<vmem_shared>>
      tpu.enqueue_indirect_dma source(%dma_start3A_214 : memref<128x128xf32, #tpu.memory_space<vmem>>) target(%dma_start3A_219 : memref<10000x128xf32, #tpu.memory_space<vmem_shared>>) offsets(%dma_start3A_216 : memref<128xi32, #tpu.memory_space<vmem>>) semaphore(%run_scoped3A_210 : memref<!tpu.dma_semaphore, #tpu.memory_space<semaphore_mem>>) {add = true}
      %dma_wait3A_220 = arith.constant 0 : i32
      %dma_wait3A_221 = arith.constant 0 : i32
      %dma_wait3A_222 = tpu.memref_slice %arg8[%run_scoped3A_177, %dma_wait3A_220, %dma_wait3A_221] : memref<2x128x128xf32, #tpu.memory_space<vmem>> -> memref<1x128x128xf32, #tpu.memory_space<vmem>>
      %dma_wait3A_223 = tpu.memref_squeeze %dma_wait3A_222 : memref<1x128x128xf32, #tpu.memory_space<vmem>> -> memref<128x128xf32, #tpu.memory_space<vmem>>
      %dma_wait3A_224 = arith.constant 4864 : i32
      %dma_wait3A_225 = tpu.memref_slice %arg7[%dma_wait3A_224] : memref<5000xi32, #tpu.memory_space<vmem>> -> memref<128xi32, #tpu.memory_space<vmem>>
      %dma_wait3A_226 = arith.constant 0 : i32
      %dma_wait3A_227 = arith.constant 0 : i32
      %dma_wait3A_228 = tpu.memref_slice %arg9[%dma_wait3A_226, %dma_wait3A_227] : memref<10000x128xf32, #tpu.memory_space<vmem_shared>> -> memref<10000x128xf32, #tpu.memory_space<vmem_shared>>
      tpu.wait_indirect_dma semaphore(%run_scoped3A_210 : memref<!tpu.dma_semaphore, #tpu.memory_space<semaphore_mem>>) src(%dma_wait3A_223 : memref<128x128xf32, #tpu.memory_space<vmem>>) dst(%dma_wait3A_228 : memref<10000x128xf32, #tpu.memory_space<vmem_shared>>)
      tpu.yield
    }) : () -> ()
    %dma_start3A_178 = arith.constant 0 : i32
    %dma_start3A_179 = arith.constant 0 : i32
    %dma_start3A_180 = arith.constant 0 : i32
    %dma_start3A_181 = tpu.memref_slice %arg8[%dma_start3A_178, %dma_start3A_179, %dma_start3A_180] : memref<2x128x128xf32, #tpu.memory_space<vmem>> -> memref<1x8x128xf32, #tpu.memory_space<vmem>>
    %dma_start3A_182 = tpu.memref_squeeze %dma_start3A_181 : memref<1x8x128xf32, #tpu.memory_space<vmem>> -> memref<8x128xf32, #tpu.memory_space<vmem>>
    %dma_start3A_183 = arith.constant 4992 : i32
    %dma_start3A_184 = tpu.memref_slice %arg6[%dma_start3A_183] : memref<5000xi32, #tpu.memory_space<vmem>> -> memref<8xi32, #tpu.memory_space<vmem>>
    %dma_start3A_185 = arith.constant 0 : i32
    %dma_start3A_186 = arith.constant 0 : i32
    %dma_start3A_187 = tpu.memref_slice %arg2[%dma_start3A_185, %dma_start3A_186] : memref<10000x128xf32, #tpu.memory_space<hbm>> -> memref<10000x128xf32, #tpu.memory_space<hbm>>
    tpu.enqueue_indirect_dma source(%dma_start3A_187 : memref<10000x128xf32, #tpu.memory_space<hbm>>) target(%dma_start3A_182 : memref<8x128xf32, #tpu.memory_space<vmem>>) offsets(%dma_start3A_184 : memref<8xi32, #tpu.memory_space<vmem>>) semaphore(%arg10 : memref<!tpu.dma_semaphore, #tpu.memory_space<semaphore_mem>>)
    %dma_wait3A_188 = arith.constant 0 : i32
    %dma_wait3A_189 = arith.constant 0 : i32
    %dma_wait3A_190 = arith.constant 0 : i32
    %dma_wait3A_191 = tpu.memref_slice %arg8[%dma_wait3A_188, %dma_wait3A_189, %dma_wait3A_190] : memref<2x128x128xf32, #tpu.memory_space<vmem>> -> memref<1x8x128xf32, #tpu.memory_space<vmem>>
    %dma_wait3A_192 = tpu.memref_squeeze %dma_wait3A_191 : memref<1x8x128xf32, #tpu.memory_space<vmem>> -> memref<8x128xf32, #tpu.memory_space<vmem>>
    %dma_wait3A_193 = arith.constant 4992 : i32
    %dma_wait3A_194 = tpu.memref_slice %arg6[%dma_wait3A_193] : memref<5000xi32, #tpu.memory_space<vmem>> -> memref<8xi32, #tpu.memory_space<vmem>>
    %dma_wait3A_195 = arith.constant 0 : i32
    %dma_wait3A_196 = arith.constant 0 : i32
    %dma_wait3A_197 = tpu.memref_slice %arg2[%dma_wait3A_195, %dma_wait3A_196] : memref<10000x128xf32, #tpu.memory_space<hbm>> -> memref<10000x128xf32, #tpu.memory_space<hbm>>
    tpu.wait_indirect_dma semaphore(%arg10 : memref<!tpu.dma_semaphore, #tpu.memory_space<semaphore_mem>>) src(%dma_wait3A_197 : memref<10000x128xf32, #tpu.memory_space<hbm>>) dst(%dma_wait3A_192 : memref<8x128xf32, #tpu.memory_space<vmem>>)
    %run_scoped3A_198 = arith.constant 0 : i32
    "tpu.region"() ({
      %run_scoped3A_210 = tpu.sem_alloc : memref<!tpu.dma_semaphore, #tpu.memory_space<semaphore_mem>>
      %dma_start3A_211 = arith.constant 0 : i32
      %dma_start3A_212 = arith.constant 0 : i32
      %dma_start3A_213 = tpu.memref_slice %arg8[%run_scoped3A_198, %dma_start3A_211, %dma_start3A_212] : memref<2x128x128xf32, #tpu.memory_space<vmem>> -> memref<1x8x128xf32, #tpu.memory_space<vmem>>
      %dma_start3A_214 = tpu.memref_squeeze %dma_start3A_213 : memref<1x8x128xf32, #tpu.memory_space<vmem>> -> memref<8x128xf32, #tpu.memory_space<vmem>>
      %dma_start3A_215 = arith.constant 4992 : i32
      %dma_start3A_216 = tpu.memref_slice %arg7[%dma_start3A_215] : memref<5000xi32, #tpu.memory_space<vmem>> -> memref<8xi32, #tpu.memory_space<vmem>>
      %dma_start3A_217 = arith.constant 0 : i32
      %dma_start3A_218 = arith.constant 0 : i32
      %dma_start3A_219 = tpu.memref_slice %arg9[%dma_start3A_217, %dma_start3A_218] : memref<10000x128xf32, #tpu.memory_space<vmem_shared>> -> memref<10000x128xf32, #tpu.memory_space<vmem_shared>>
      tpu.enqueue_indirect_dma source(%dma_start3A_214 : memref<8x128xf32, #tpu.memory_space<vmem>>) target(%dma_start3A_219 : memref<10000x128xf32, #tpu.memory_space<vmem_shared>>) offsets(%dma_start3A_216 : memref<8xi32, #tpu.memory_space<vmem>>) semaphore(%run_scoped3A_210 : memref<!tpu.dma_semaphore, #tpu.memory_space<semaphore_mem>>) {add = true}
      %dma_wait3A_220 = arith.constant 0 : i32
      %dma_wait3A_221 = arith.constant 0 : i32
      %dma_wait3A_222 = tpu.memref_slice %arg8[%run_scoped3A_198, %dma_wait3A_220, %dma_wait3A_221] : memref<2x128x128xf32, #tpu.memory_space<vmem>> -> memref<1x8x128xf32, #tpu.memory_space<vmem>>
      %dma_wait3A_223 = tpu.memref_squeeze %dma_wait3A_222 : memref<1x8x128xf32, #tpu.memory_space<vmem>> -> memref<8x128xf32, #tpu.memory_space<vmem>>
      %dma_wait3A_224 = arith.constant 4992 : i32
      %dma_wait3A_225 = tpu.memref_slice %arg7[%dma_wait3A_224] : memref<5000xi32, #tpu.memory_space<vmem>> -> memref<8xi32, #tpu.memory_space<vmem>>
      %dma_wait3A_226 = arith.constant 0 : i32
      %dma_wait3A_227 = arith.constant 0 : i32
      %dma_wait3A_228 = tpu.memref_slice %arg9[%dma_wait3A_226, %dma_wait3A_227] : memref<10000x128xf32, #tpu.memory_space<vmem_shared>> -> memref<10000x128xf32, #tpu.memory_space<vmem_shared>>
      tpu.wait_indirect_dma semaphore(%run_scoped3A_210 : memref<!tpu.dma_semaphore, #tpu.memory_space<semaphore_mem>>) src(%dma_wait3A_223 : memref<8x128xf32, #tpu.memory_space<vmem>>) dst(%dma_wait3A_228 : memref<10000x128xf32, #tpu.memory_space<vmem_shared>>)
      tpu.yield
    }) : () -> ()
    %barrier3A_199 = arith.constant 0 : index
    tpu.barrier barrier_id(%barrier3A_199)
    %lt3A_200 = arith.constant 15 : i32
    %lt3A_201 = arith.cmpi slt, %arg1, %lt3A_200 : i32
    %convert_element_type3A_202 = arith.extui %lt3A_201 : i1 to i32
    %cond3A_203 = arith.constant 0 : i32
    %cond3A_204 = arith.cmpi ne, %convert_element_type3A_202, %cond3A_203 : i32
    scf.if %cond3A_204 {
      %mul3A_210 = arith.constant 632 : i32
      %mul3A_211 = arith.muli %arg1, %mul3A_210 : i32
      %mul3A_212 = arith.constant 10000 : i32
      %mul3A_213 = arith.muli %arg0, %mul3A_212 : i32
      %mul3A_214 = arith.constant 632 : i32
      %mul3A_215 = arith.muli %arg1, %mul3A_214 : i32
      %add3A_216 = arith.addi %mul3A_213, %mul3A_215 : i32
      "tpu.region"() ({
        %run_scoped3A_217 = tpu.sem_alloc : memref<!tpu.dma_semaphore, #tpu.memory_space<semaphore_mem>>
        %dma_start3A_218 = arith.constant 0 : i32
        %dma_start3A_219 = tpu.memref_slice %arg5[%add3A_216, %dma_start3A_218] : memref<20000x128xf32, #tpu.memory_space<hbm>> -> memref<632x128xf32, #tpu.memory_space<hbm>>
        %dma_start3A_220 = arith.constant 0 : i32
        %dma_start3A_221 = tpu.memref_slice %arg9[%mul3A_211, %dma_start3A_220] : memref<10000x128xf32, #tpu.memory_space<vmem_shared>> -> memref<632x128xf32, #tpu.memory_space<vmem_shared>>
        tpu.enqueue_dma source(%dma_start3A_221 : memref<632x128xf32, #tpu.memory_space<vmem_shared>>) target(%dma_start3A_219 : memref<632x128xf32, #tpu.memory_space<hbm>>) target_semaphore(%run_scoped3A_217 : memref<!tpu.dma_semaphore, #tpu.memory_space<semaphore_mem>>)
        %dma_wait3A_222 = arith.constant 0 : i32
        %dma_wait3A_223 = tpu.memref_slice %arg5[%add3A_216, %dma_wait3A_222] : memref<20000x128xf32, #tpu.memory_space<hbm>> -> memref<632x128xf32, #tpu.memory_space<hbm>>
        %dma_wait3A_224 = arith.constant 0 : i32
        %dma_wait3A_225 = tpu.memref_slice %arg9[%mul3A_211, %dma_wait3A_224] : memref<10000x128xf32, #tpu.memory_space<vmem_shared>> -> memref<632x128xf32, #tpu.memory_space<vmem_shared>>
        tpu.wait_dma2 semaphore(%run_scoped3A_217 : memref<!tpu.dma_semaphore, #tpu.memory_space<semaphore_mem>>) src(%dma_wait3A_225 : memref<632x128xf32, #tpu.memory_space<vmem_shared>>) dst(%dma_wait3A_223 : memref<632x128xf32, #tpu.memory_space<hbm>>)
        tpu.yield
      }) : () -> ()
    } else {
    }
    %eq3A_205 = arith.constant 15 : i32
    %eq3A_206 = arith.cmpi eq, %arg1, %eq3A_205 : i32
    %convert_element_type3A_207 = arith.extui %eq3A_206 : i1 to i32
    %cond3A_208 = arith.constant 0 : i32
    %cond3A_209 = arith.cmpi ne, %convert_element_type3A_207, %cond3A_208 : i32
    scf.if %cond3A_209 {
      %mul3A_210 = arith.constant 10000 : i32
      %mul3A_211 = arith.muli %arg0, %mul3A_210 : i32
      %add3A_212 = arith.constant 9480 : i32
      %add3A_213 = arith.addi %mul3A_211, %add3A_212 : i32
      "tpu.region"() ({
        %run_scoped3A_214 = tpu.sem_alloc : memref<!tpu.dma_semaphore, #tpu.memory_space<semaphore_mem>>
        %dma_start3A_215 = arith.constant 0 : i32
        %dma_start3A_216 = tpu.memref_slice %arg5[%add3A_213, %dma_start3A_215] : memref<20000x128xf32, #tpu.memory_space<hbm>> -> memref<520x128xf32, #tpu.memory_space<hbm>>
        %dma_start3A_217 = arith.constant 9480 : i32
        %dma_start3A_218 = arith.constant 0 : i32
        %dma_start3A_219 = tpu.memref_slice %arg9[%dma_start3A_217, %dma_start3A_218] : memref<10000x128xf32, #tpu.memory_space<vmem_shared>> -> memref<520x128xf32, #tpu.memory_space<vmem_shared>>
        tpu.enqueue_dma source(%dma_start3A_219 : memref<520x128xf32, #tpu.memory_space<vmem_shared>>) target(%dma_start3A_216 : memref<520x128xf32, #tpu.memory_space<hbm>>) target_semaphore(%run_scoped3A_214 : memref<!tpu.dma_semaphore, #tpu.memory_space<semaphore_mem>>)
        %dma_wait3A_220 = arith.constant 0 : i32
        %dma_wait3A_221 = tpu.memref_slice %arg5[%add3A_213, %dma_wait3A_220] : memref<20000x128xf32, #tpu.memory_space<hbm>> -> memref<520x128xf32, #tpu.memory_space<hbm>>
        %dma_wait3A_222 = arith.constant 9480 : i32
        %dma_wait3A_223 = arith.constant 0 : i32
        %dma_wait3A_224 = tpu.memref_slice %arg9[%dma_wait3A_222, %dma_wait3A_223] : memref<10000x128xf32, #tpu.memory_space<vmem_shared>> -> memref<520x128xf32, #tpu.memory_space<vmem_shared>>
        tpu.wait_dma2 semaphore(%run_scoped3A_214 : memref<!tpu.dma_semaphore, #tpu.memory_space<semaphore_mem>>) src(%dma_wait3A_224 : memref<520x128xf32, #tpu.memory_space<vmem_shared>>) dst(%dma_wait3A_221 : memref<520x128xf32, #tpu.memory_space<hbm>>)
        tpu.yield
      }) : () -> ()
    } else {
    }
    return
  }
}

module attributes {stable_mosaic.version = 14 : i64} {
  func.func @_tc_prescale_body(%arg0: i32, %arg1: memref<2000x128xf32, #tpu.memory_space<vmem>>, %arg2: memref<128x128xf32, #tpu.memory_space<vmem>>, %arg3: memref<1x128xf32, #tpu.memory_space<vmem>>, %arg4: memref<2000x1xf32, #tpu.memory_space<vmem>>, %arg5: memref<2000x1xf32, #tpu.memory_space<vmem>>, %arg6: memref<2000x128xf32, #tpu.memory_space<vmem>>, %arg7: memref<2000x128xf32, #tpu.memory_space<vmem>>, %arg8: memref<2000x1xf32, #tpu.memory_space<vmem>>) attributes {dimension_semantics = [#tpu.dimension_semantics<arbitrary>], iteration_bounds = array<i64: 5>, scalar_prefetch = 0 : i64, scratch_operands = 0 : i64, tpu.core_type = #tpu.core_type<tc>, window_params = [{transform_indices = @transform_0, window_bounds = array<i64: 2000, 128>}, {pipeline_mode = #tpu.pipeline_mode<synchronous>, transform_indices = @transform_1, window_bounds = array<i64: 128, 128>}, {pipeline_mode = #tpu.pipeline_mode<synchronous>, transform_indices = @transform_2, window_bounds = array<i64: 1, 128>}, {transform_indices = @transform_3, window_bounds = array<i64: 2000, 1>}, {transform_indices = @transform_4, window_bounds = array<i64: 2000, 1>}, {transform_indices = @transform_5, window_bounds = array<i64: 2000, 128>}, {transform_indices = @transform_6, window_bounds = array<i64: 2000, 128>}, {transform_indices = @transform_7, window_bounds = array<i64: 2000, 1>}]} {
    %get3A = arith.constant 0 : index
    %get3A_0 = arith.constant 0 : index
    %get3A_1 = vector.load %arg1[%get3A, %get3A_0] : memref<2000x128xf32, #tpu.memory_space<vmem>>, vector<2000x128xf32>
    %get3A_2 = arith.constant 0 : index
    %get3A_3 = arith.constant 0 : index
    %get3A_4 = vector.load %arg2[%get3A_2, %get3A_3] : memref<128x128xf32, #tpu.memory_space<vmem>>, vector<128x128xf32>
    %dot_general3A = arith.constant dense<0.000000e+00> : vector<2000x128xf32>
    %dot_general3A_5 = tpu.matmul %get3A_1, %get3A_4, %dot_general3A {dimension_numbers = #tpu.dot_dimension_numbers<[1], [0], [0], [1], [0, 0, 1, 1], [], []>, transpose_lhs_hint = false} : vector<2000x128xf32>, vector<128x128xf32>, vector<2000x128xf32> -> vector<2000x128xf32>
    %get3A_6 = arith.constant 0 : index
    %get3A_7 = arith.constant 0 : index
    %get3A_8 = vector.load %arg4[%get3A_6, %get3A_7] : memref<2000x1xf32, #tpu.memory_space<vmem>>, vector<2000x1xf32>
    %get3A_9 = arith.constant 0 : index
    %get3A_10 = arith.constant 0 : index
    %get3A_11 = vector.load %arg5[%get3A_9, %get3A_10] : memref<2000x1xf32, #tpu.memory_space<vmem>>, vector<2000x1xf32>
    %add3A = arith.addf %get3A_8, %get3A_11 : vector<2000x1xf32>
    %add3A_12 = arith.constant 1.000000e+00 : f32
    %add3A_13 = vector.broadcast %add3A_12 : f32 to vector<2000x1xf32>
    %add3A_14 = arith.addf %add3A, %add3A_13 : vector<2000x1xf32>
    %rsqrt3A = math.rsqrt %add3A_14 : vector<2000x1xf32>
    %mul3A = vector.broadcast %rsqrt3A : vector<2000x1xf32> to vector<2000x128xf32>
    %mul3A_15 = arith.mulf %dot_general3A_5, %mul3A : vector<2000x128xf32>
    %swap3A = arith.constant 0 : index
    %swap3A_16 = arith.constant 0 : index
    %swap3A_17 = vector.load %arg6[%swap3A, %swap3A_16] : memref<2000x128xf32, #tpu.memory_space<vmem>>, vector<2000x128xf32>
    tpu.vector_store %arg6[%swap3A, %swap3A_16], %mul3A_15 {strides = array<i32>} : memref<2000x128xf32, #tpu.memory_space<vmem>>, vector<2000x128xf32>,
    %div3A = vector.broadcast %add3A_14 : vector<2000x1xf32> to vector<2000x128xf32>
    %div3A_18 = arith.divf %dot_general3A_5, %div3A : vector<2000x128xf32>
    %get3A_19 = arith.constant 0 : index
    %get3A_20 = arith.constant 0 : index
    %get3A_21 = vector.load %arg1[%get3A_19, %get3A_20] : memref<2000x128xf32, #tpu.memory_space<vmem>>, vector<2000x128xf32>
    %add3A_22 = arith.addf %div3A_18, %get3A_21 : vector<2000x128xf32>
    %get3A_23 = arith.constant 0 : index
    %get3A_24 = arith.constant 0 : index
    %get3A_25 = vector.load %arg3[%get3A_23, %get3A_24] : memref<1x128xf32, #tpu.memory_space<vmem>>, vector<1x128xf32>
    %add3A_26 = vector.broadcast %get3A_25 : vector<1x128xf32> to vector<2000x128xf32>
    %add3A_27 = arith.addf %add3A_22, %add3A_26 : vector<2000x128xf32>
    %swap3A_28 = arith.constant 0 : index
    %swap3A_29 = arith.constant 0 : index
    %swap3A_30 = vector.load %arg7[%swap3A_28, %swap3A_29] : memref<2000x128xf32, #tpu.memory_space<vmem>>, vector<2000x128xf32>
    tpu.vector_store %arg7[%swap3A_28, %swap3A_29], %add3A_27 {strides = array<i32>} : memref<2000x128xf32, #tpu.memory_space<vmem>>, vector<2000x128xf32>,
    %swap3A_31 = arith.constant 0 : index
    %swap3A_32 = arith.constant 0 : index
    %swap3A_33 = vector.load %arg8[%swap3A_31, %swap3A_32] : memref<2000x1xf32, #tpu.memory_space<vmem>>, vector<2000x1xf32>
    tpu.vector_store %arg8[%swap3A_31, %swap3A_32], %rsqrt3A {strides = array<i32>} : memref<2000x1xf32, #tpu.memory_space<vmem>>, vector<2000x1xf32>,
    return
  }
  func.func @transform_0(%arg0: i32) -> (i32, i32) {
    %c0_i32 = arith.constant 0 : i32
    %c0_i32_0 = arith.constant 0 : i32
    return %arg0, %c0_i32 : i32, i32
  }
  func.func @transform_1(%arg0: i32) -> (i32, i32) {
    %c0_i32 = arith.constant 0 : i32
    %c0_i32_0 = arith.constant 0 : i32
    %c0_i32_1 = arith.constant 0 : i32
    return %c0_i32, %c0_i32_0 : i32, i32
  }
  func.func @transform_2(%arg0: i32) -> (i32, i32) {
    %c0_i32 = arith.constant 0 : i32
    %c0_i32_0 = arith.constant 0 : i32
    %c0_i32_1 = arith.constant 0 : i32
    return %c0_i32, %c0_i32_0 : i32, i32
  }
  func.func @transform_3(%arg0: i32) -> (i32, i32) {
    %c0_i32 = arith.constant 0 : i32
    %c0_i32_0 = arith.constant 0 : i32
    return %arg0, %c0_i32 : i32, i32
  }
  func.func @transform_4(%arg0: i32) -> (i32, i32) {
    %add3A = arith.constant 5 : i32
    %add3A_0 = arith.addi %add3A, %arg0 : i32
    %c0_i32 = arith.constant 0 : i32
    %c0_i32_1 = arith.constant 0 : i32
    return %add3A_0, %c0_i32 : i32, i32
  }
  func.func @transform_5(%arg0: i32) -> (i32, i32) {
    %c0_i32 = arith.constant 0 : i32
    %c0_i32_0 = arith.constant 0 : i32
    return %arg0, %c0_i32 : i32, i32
  }
  func.func @transform_6(%arg0: i32) -> (i32, i32) {
    %c0_i32 = arith.constant 0 : i32
    %c0_i32_0 = arith.constant 0 : i32
    return %arg0, %c0_i32 : i32, i32
  }
  func.func @transform_7(%arg0: i32) -> (i32, i32) {
    %c0_i32 = arith.constant 0 : i32
    %c0_i32_0 = arith.constant 0 : i32
    return %arg0, %c0_i32 : i32, i32
  }
}

module attributes {stable_mosaic.version = 14 : i64} {
  func.func @_tc_finish_body(%arg0: i32, %arg1: memref<2000x128xf32, #tpu.memory_space<vmem>>, %arg2: memref<2000x128xf32, #tpu.memory_space<vmem>>, %arg3: memref<2000x128xf32, #tpu.memory_space<vmem>>, %arg4: memref<2000x1xf32, #tpu.memory_space<vmem>>, %arg5: memref<2000x128xf32, #tpu.memory_space<vmem>>) attributes {dimension_semantics = [#tpu.dimension_semantics<arbitrary>], iteration_bounds = array<i64: 5>, scalar_prefetch = 0 : i64, scratch_operands = 0 : i64, tpu.core_type = #tpu.core_type<tc>, window_params = [{transform_indices = @transform_0, window_bounds = array<i64: 2000, 128>}, {transform_indices = @transform_1, window_bounds = array<i64: 2000, 128>}, {transform_indices = @transform_2, window_bounds = array<i64: 2000, 128>}, {transform_indices = @transform_3, window_bounds = array<i64: 2000, 1>}, {transform_indices = @transform_4, window_bounds = array<i64: 2000, 128>}]} {
    %get3A = arith.constant 0 : index
    %get3A_0 = arith.constant 0 : index
    %get3A_1 = vector.load %arg4[%get3A, %get3A_0] : memref<2000x1xf32, #tpu.memory_space<vmem>>, vector<2000x1xf32>
    %get3A_2 = arith.constant 0 : index
    %get3A_3 = arith.constant 0 : index
    %get3A_4 = vector.load %arg1[%get3A_2, %get3A_3] : memref<2000x128xf32, #tpu.memory_space<vmem>>, vector<2000x128xf32>
    %get3A_5 = arith.constant 0 : index
    %get3A_6 = arith.constant 0 : index
    %get3A_7 = vector.load %arg2[%get3A_5, %get3A_6] : memref<2000x128xf32, #tpu.memory_space<vmem>>, vector<2000x128xf32>
    %add3A = arith.addf %get3A_4, %get3A_7 : vector<2000x128xf32>
    %mul3A = vector.broadcast %get3A_1 : vector<2000x1xf32> to vector<2000x128xf32>
    %mul3A_8 = arith.mulf %mul3A, %add3A : vector<2000x128xf32>
    %get3A_9 = arith.constant 0 : index
    %get3A_10 = arith.constant 0 : index
    %get3A_11 = vector.load %arg3[%get3A_9, %get3A_10] : memref<2000x128xf32, #tpu.memory_space<vmem>>, vector<2000x128xf32>
    %add3A_12 = arith.addf %mul3A_8, %get3A_11 : vector<2000x128xf32>
    %reduce_sum3A = arith.constant dense<0.000000e+00> : vector<2000xf32>
    %reduce_sum3A_13 = vector.multi_reduction <add>, %add3A_12, %reduce_sum3A [1] : vector<2000x128xf32> to vector<2000xf32>
    %broadcast_in_dim3A = vector.shape_cast %reduce_sum3A_13 : vector<2000xf32> to vector<2000x1xf32>
    %div3A = arith.constant 1.280000e+02 : f32
    %div3A_14 = vector.broadcast %div3A : f32 to vector<2000x1xf32>
    %div3A_15 = arith.divf %broadcast_in_dim3A, %div3A_14 : vector<2000x1xf32>
    %sub3A = vector.broadcast %div3A_15 : vector<2000x1xf32> to vector<2000x128xf32>
    %sub3A_16 = arith.subf %add3A_12, %sub3A : vector<2000x128xf32>
    %mul3A_17 = arith.mulf %sub3A_16, %sub3A_16 : vector<2000x128xf32>
    %reduce_sum3A_18 = arith.constant dense<0.000000e+00> : vector<2000xf32>
    %reduce_sum3A_19 = vector.multi_reduction <add>, %mul3A_17, %reduce_sum3A_18 [1] : vector<2000x128xf32> to vector<2000xf32>
    %broadcast_in_dim3A_20 = vector.shape_cast %reduce_sum3A_19 : vector<2000xf32> to vector<2000x1xf32>
    %div3A_21 = arith.constant 1.280000e+02 : f32
    %div3A_22 = vector.broadcast %div3A_21 : f32 to vector<2000x1xf32>
    %div3A_23 = arith.divf %broadcast_in_dim3A_20, %div3A_22 : vector<2000x1xf32>
    %add3A_24 = arith.constant 9.99999974E-6 : f32
    %add3A_25 = vector.broadcast %add3A_24 : f32 to vector<2000x1xf32>
    %add3A_26 = arith.addf %div3A_23, %add3A_25 : vector<2000x1xf32>
    %rsqrt3A = math.rsqrt %add3A_26 : vector<2000x1xf32>
    %mul3A_27 = vector.broadcast %rsqrt3A : vector<2000x1xf32> to vector<2000x128xf32>
    %mul3A_28 = arith.mulf %sub3A_16, %mul3A_27 : vector<2000x128xf32>
    %swap3A = arith.constant 0 : index
    %swap3A_29 = arith.constant 0 : index
    %swap3A_30 = vector.load %arg5[%swap3A, %swap3A_29] : memref<2000x128xf32, #tpu.memory_space<vmem>>, vector<2000x128xf32>
    tpu.vector_store %arg5[%swap3A, %swap3A_29], %mul3A_28 {strides = array<i32>} : memref<2000x128xf32, #tpu.memory_space<vmem>>, vector<2000x128xf32>,
    return
  }
  func.func @transform_0(%arg0: i32) -> (i32, i32) {
    %c0_i32 = arith.constant 0 : i32
    %c0_i32_0 = arith.constant 0 : i32
    return %arg0, %c0_i32 : i32, i32
  }
  func.func @transform_1(%arg0: i32) -> (i32, i32) {
    %add3A = arith.constant 5 : i32
    %add3A_0 = arith.addi %add3A, %arg0 : i32
    %c0_i32 = arith.constant 0 : i32
    %c0_i32_1 = arith.constant 0 : i32
    return %add3A_0, %c0_i32 : i32, i32
  }
  func.func @transform_2(%arg0: i32) -> (i32, i32) {
    %c0_i32 = arith.constant 0 : i32
    %c0_i32_0 = arith.constant 0 : i32
    return %arg0, %c0_i32 : i32, i32
  }
  func.func @transform_3(%arg0: i32) -> (i32, i32) {
    %c0_i32 = arith.constant 0 : i32
    %c0_i32_0 = arith.constant 0 : i32
    return %arg0, %c0_i32 : i32, i32
  }
  func.func @transform_4(%arg0: i32) -> (i32, i32) {
    %c0_i32 = arith.constant 0 : i32
    %c0_i32_0 = arith.constant 0 : i32
    return %arg0, %c0_i32 : i32, i32
  }
}

</mosaic_0001>

<sc_bundles>
// kernel: kernel.6.cloned.1.call-start
scs
__scs_entry_jumppad:
0x0: {  	(pc) =	sbr.rel $0x88, $3  }
0x1: {  	(tag) =	ssettag $0x0;
	lr =	simm.s32 $0x1  }
0x2: {  	[smem:$0x3F9D] =	sst lr;
	_ =	strace $0xD0000000  }
0x3: {  	_ = 	snop  }
0x4: {  	_ = 	snop  }
0x5: {  	_ = 	snop  }
0x6: {  	_ = 	snop  }
0x7: {  	_ = 	snop  }
__scs_overlays_trampoline_lowered:
0x8: {  	[smem:$0x3FAC] =	sst s0  }
0x9: {  	[smem:$0x3FAD] =	sst s1  }
0xa: {  	[smem:$0x3FAE] =	sst s2  }
0xb: {  	[smem:$0x3FAF] =	sst s3  }
0xc: {  	[smem:$0x3FB0] =	sst s4  }
0xd: {  	[smem:$0x3FB1] =	sst s5  }
0xe: {  	[smem:$0x3FB2] =	sst s6  }
0xf: {  	[smem:$0x3FB3] =	sst s7  }
0x10: {  	[smem:$0x3FB4] =	sst s8  }
0x11: {  	[smem:$0x3FB5] =	sst s9;
	s0 =	simm.s32 @!p0 $0x0  }
0x12: {  	s1 =	sld [smem:$0x3F9B];
	s0 =	simm.s32 @p0 $0x1  }
0x13: {  	[smem:$0x3FB6] =	sst s0;
	s0 =	simm.s32 @!p1 $0x0  }
0x14: {  	s2 =	sld [smem:$0x3F9A];
	s0 =	simm.s32 @p1 $0x1  }
0x15: {  	[smem:$0x3FB7] =	sst s0;
	s0 =	simm.s32 @!p2 $0x0  }
0x16: {  	s3 =	sld [smem:$0x3FDB];
	s0 =	simm.s32 @p2 $0x1  }
0x17: {  	s4 =	simm.s32 $0x1BF5;
	[smem:$0x3FB9] =	sst s0  }
0x18: {  	s0 =	sld [smem:$0x3F9C];
	_ =	swait.ge [sflag:s4], $0x0  }
0x19: {  	s7 =	sld [smem:$0x3F9D]  }
0x1a: {  	s8 =	sadd.s32 $0xFFFFE003, lr  }
0x1b: {  	s9 =	sadd.s32 $0xFFFFFEF7, lr;
	s5 =	simm.s32 $0xFFFFFFFF;
	p2 =	slt.u32 s8, $0xFFFFF086  }
0x1c: {  	p1 =	slt.u32 s9, $0xF7A;
	s5 =	simm.s32 @!p2 $0x0  }
0x1d: {  	s5 =	simm.s32 @p1 $0x1;
	p0 =	seq.s32 s7, s2  }
0x1e: {  	s7 =	smul.u32 @!p0 $0xF7A, s2;
	p2 =	seq.s32 @!p0 s5, $0x0  }
0x1f: {  	s9 =	smul.u32 $0xF7A, s1;
	s8 =	simm.s32 @!p0 $0x1BF5;
	p2 =	por !p2, p0  }
0x20: {  	[sflag:s8] =	ssyncset.s32 @!p0 $0xFFFFF086;
	s6 =	sadd.s32 @!p0 s3, s7;
	s7 =	simm.s32 @!p0 $0x108  }
0x21: {  	s3 =	sadd.s32 s3, s9;
	s6 =	sadd.s32 @!p0 $0x88, s6;
	s7 =	simm.s32 @p2 $0x1082  }
0x22: {  	[simem:s7], [sflag:s8] =	dma.local @!p0 [hbm:s6], $0xF7A  }
0x23: {  	s9 =	sor.u32 $0xD0000000, s2;
	s6 =	simm.s32 $0x108;
	_ =	swait.ge @!p0 [sflag:s8], $0x0  }
0x24: {  	s3 =	sadd.s32 $0x88, s3;
	s6 =	simm.s32 @!p1 $0x1082;
	[sflag:s4] =	ssyncset.s32 $0xFFFFF086  }
0x25: {  	[simem:s6], [sflag:s4] =	dma.local [hbm:s3], $0xF7A  }
0x26: {  	[smem:$0x3F9D] =	sst s1;
	(tag) =	ssettag s2;
	_ =	strace s9  }
0x27: {  	s1 =	sld [smem:$0x3FAD]  }
0x28: {  	s2 =	sld [smem:$0x3FAE]  }
0x29: {  	s4 =	sld [smem:$0x3FB0]  }
0x2a: {  	p0 =	seq.s32 s5, $0x0;
	s5 =	sld [smem:$0x3FB1]  }
0x2b: {  	s6 =	sld [smem:$0x3FB2]  }
0x2c: {  	s7 =	sld [smem:$0x3FB3]  }
0x2d: {  	s3 =	simm.s32 $0x108;
	s8 =	sld [smem:$0x3FB4]  }
0x2e: {  	s3 =	simm.s32 @!p0 $0x1082;
	s9 =	sld [smem:$0x3FB5]  }
0x2f: {  	lr =	sadd.s32 s0, s3;
	s0 =	sld [smem:$0x3FAC]  }
0x30: {  	s3 =	sld [smem:$0x3FAF]  }
0x31: {  	[smem:$0x3FB8] =	sst s10  }
0x32: {  	s10 =	sld [smem:$0x3FB6];
	_ =	sdelay $0x3  }
0x33: {  	p0 =	seq.s32 s10, $0x1;
	s10 =	sld [smem:$0x3FB8];
	_ =	sdelay $0x3  }
0x34: {  	[smem:$0x3FB8] =	sst s10  }
0x35: {  	s10 =	sld [smem:$0x3FB7];
	_ =	sdelay $0x3  }
0x36: {  	p1 =	seq.s32 s10, $0x1;
	s10 =	sld [smem:$0x3FB8];
	_ =	sdelay $0x3  }
0x37: {  	[smem:$0x3FB8] =	sst s10  }
0x38: {  	s10 =	sld [smem:$0x3FB9]  }
0x39: {  	_ = 	snop;
	(pc) =	sbr.ind lr, $3  }
0x3a: {  	_ = 	snop  }
0x3b: {  	_ = 	snop  }
0x3c: {  	p2 =	seq.s32 s10, $0x1;
	s10 =	sld [smem:$0x3FB8]  }
0x3d: {  	_ =	shalt  }
0x3e: {  	_ =	shalt  }
0x3f: {  	_ =	shalt  }
0x40: {  	_ =	shalt  }
0x41: {  	_ =	shalt  }
0x42: {  	_ =	shalt  }
0x43: {  	_ =	shalt  }
0x44: {  	_ =	shalt  }
0x45: {  	_ =	shalt  }
0x46: {  	_ =	shalt  }
0x47: {  	_ =	shalt  }
0x48: {  	_ =	shalt  }
0x49: {  	_ =	shalt  }
0x4a: {  	_ =	shalt  }
0x4b: {  	_ =	shalt  }
0x4c: {  	_ =	shalt  }
0x4d: {  	_ =	shalt  }
0x4e: {  	_ =	shalt  }
0x4f: {  	_ =	shalt  }
0x50: {  	_ =	shalt  }
0x51: {  	_ =	shalt  }
0x52: {  	_ =	shalt  }
0x53: {  	_ =	shalt  }
0x54: {  	_ =	shalt  }
0x55: {  	_ =	shalt  }
0x56: {  	_ =	shalt  }
0x57: {  	_ =	shalt  }
0x58: {  	_ =	shalt  }
0x59: {  	_ =	shalt  }
0x5a: {  	_ =	shalt  }
0x5b: {  	_ =	shalt  }
0x5c: {  	_ =	shalt  }
0x5d: {  	_ =	shalt  }
0x5e: {  	_ =	shalt  }
0x5f: {  	_ =	shalt  }
0x60: {  	_ =	shalt  }
0x61: {  	_ =	shalt  }
0x62: {  	_ =	shalt  }
0x63: {  	_ =	shalt  }
0x64: {  	_ =	shalt  }
0x65: {  	_ =	shalt  }
0x66: {  	_ =	shalt  }
0x67: {  	_ =	shalt  }
0x68: {  	_ =	shalt  }
0x69: {  	_ =	shalt  }
0x6a: {  	_ =	shalt  }
0x6b: {  	_ =	shalt  }
0x6c: {  	_ =	shalt  }
0x6d: {  	_ =	shalt  }
0x6e: {  	_ =	shalt  }
0x6f: {  	_ =	shalt  }
0x70: {  	_ =	shalt  }
0x71: {  	_ =	shalt  }
0x72: {  	_ =	shalt  }
0x73: {  	_ =	shalt  }
0x74: {  	_ =	shalt  }
0x75: {  	_ =	shalt  }
0x76: {  	_ =	shalt  }
0x77: {  	_ =	shalt  }
0x78: {  	_ =	shalt  }
0x79: {  	_ =	shalt  }
0x7a: {  	_ =	shalt  }
0x7b: {  	_ =	shalt  }
0x7c: {  	_ =	shalt  }
0x7d: {  	_ =	shalt  }
0x7e: {  	_ =	shalt  }
0x7f: {  	_ =	shalt  }
0x80: {  	_ =	shalt  }
0x81: {  	_ =	shalt  }
0x82: {  	_ =	shalt  }
0x83: {  	_ =	shalt  }
0x84: {  	_ =	shalt  }
0x85: {  	_ =	shalt  }
0x86: {  	_ =	shalt  }
0x87: {  	_ =	shalt  }
.Lfunc_end0:
.L_simem_size_0:
called_computation_lowered:
.L_overlay_start_0:
0x88: {  	s2 =	sld [smem:$0x3FD9]  }
0x89: {  	s3 =	sld [smem:$0x3FFE];
	_ =	sdelay $0x1  }
0x8a: {  	s1 =	srdreg.scid  }
0x8b: {  	s0 =	sand.u32 $0x1, s1  }
0x8c: {  	s17 =	sshll.u32 s0, $0xA;
	s2 =	sadd.s32 s3, s2  }
0x8d: {  	s2 =	sadd.s32 s2, s17  }
0x8e: {  	[smem:$0x3FC4] =	sst s2  }
0x8f: {  	_ = 	snop  }
0x90: {  	s2 =	sld [smem:$0x3FD0];
	(tm) =	ssettm $0x1  }
0x91: {  	s18 =	sld [smem:$0x3FFB];
	_ =	sdelay $0x3  }
0x92: {  	_ =	strace s18  }
0x93: {  	s3 =	sld [smem:$0x3FFC];
	_ =	sdelay $0x3  }
0x94: {  	_ =	strace s3  }
0x95: {  	s3 =	sld [smem:$0x3FFD];
	_ =	sdelay $0x3  }
0x96: {  	_ =	strace s3  }
0x97: {  	_ =	strace $0x8FFFFFFF  }
0x98: {  	s19 =	sld [smem:$0x3FDB];
	_ =	sdelay $0x1  }
0x99: {  	s4 =	simm.s32 $_scs_section_size  }
0x9a: {  	s5 =	simm.s32 $_size__tile_overlayer_lowered;
	s6 =	simm.s32 $_tile_overlayer_lowered  }
0x9b: {  	s22 =	simm.s32 $0x1BFF;
	s21 =	sshll.u32 s6, $0x1;
	s3 =	sadd.s32 s4, s19  }
0x9c: {  	s7 =	simm.s32 $0x0;
	s20 =	sshll.u32 s5, $0x1;
	s5 =	sadd.s32 s21, s3  }
0x9d: {  	[timem:s7], [sflag:s22] =	dma.local [hbm:s5], s20  }
0x9e: {  	_ =	swait.ge [sflag:s22], s20  }
0x9f: {  	s4 =	ssub.s32 $0x0, s20;
	[sflag:s22] =	ssyncset.done $0x0  }
0xa0: {  	[sflag:s22] =	ssyncadd.s32 s4;
	_ =	sdelay $0x1  }
0xa1: {  	s23 =	simm.s32 $0x1B8B  }
0xa2: {  	_ =	swait.ge [sflag:s23], $0x1  }
0xa3: {  	[sflag:s23] =	ssyncset.done $0x0  }
0xa4: {  	s25 =	simm.s32 $0x1B8E;
	s24 =	sld [smem:$0x3FFE];
	[sflag:s23] =	ssyncadd.s32 $0xFFFFFFFF  }
0xa5: {  	s26 =	simm.s32 $execute0_lowered;
	[smem:$0x3FD2] =	sst s25  }
0xa6: {  	s5 =	sshll.u32 s26, $0x1;
	_ =	strace $0x80000046;
	[dreg:$0x1] =	wrdreg $0xFFFFFFFF  }
0xa7: {  	s28 =	simm.s32 $_size_execute0_lowered;
	s3 =	sadd.s32 s3, s5;
	[dreg:$0x0] =	wrdreg $0x0  }
0xa8: {  	s5 =	sshll.u32 s28, $0x1;
	[dreg:$0x2] =	wrdreg s3  }
0xa9: {  	[dreg:$0x3] =	wrdreg s5  }
0xaa: {  	[dreg:$0x4] =	wrdreg $0xC0  }
0xab: {  	_ =	task [dreg:s7], $0x5FFFF  }
0xac: {  	[dreg:$0x1] =	wrdreg $0xFFFFFFFF  }
0xad: {  	[dreg:$0x0] =	wrdreg $0x60  }
0xae: {  	[dreg:$0x2] =	wrdreg s24  }
0xaf: {  	[dreg:$0x3] =	wrdreg s2  }
0xb0: {  	[dreg:$0x4] =	wrdreg $0x30000  }
0xb1: {  	[dreg:$0x5] =	wrdreg $0x9  }
0xb2: {  	_ =	task.clear_ibuf [dreg:s7], $0x6FFFF;
	_ =	strace $0x90000046  }
0xb3: {  	s29 =	simm.s32 $0x9;
	_ =	strace $0x80000048  }
0xb4: {  	_ =	swait.ge [sflag:s29], $0x1  }
0xb5: {  	[sflag:s29] =	ssyncadd.s32 $0xFFFFFFFF  }
0xb6: {  	_ =	strace $0x90000048  }
0xb7: {  	_ =	sfence  }
0xb8: {  	s30 =	sld [smem:$0x0];
	_ =	sdelay $0x2  }
0xb9: {  	s31 =	sshll.u32 s1, $0xD;
	s1 =	sshrl.u32 s1, $0x2  }
0xba: {  	s3 =	sand.u32 $0x4000, s31;
	s1 =	sadd.s32 s1, s30  }
0xbb: {  	s0 =	sor.u32 s3, s0;
	s1 =	sshll.u32 s1, $0x11  }
0xbc: {  	s0 =	sor.u32 s1, s0  }
0xbd: {  	s0 =	sadd.s32 $0x8F2B, s0  }
0xbe: {  	[sflag:s0] =	ssyncadd.remote.s32 $0x1  }
0xbf: {  	_ =	sfence.sel $0xFFFF  }
0xc0: {  	[dreg:$0x0] =	wrdreg $0xFFFFFFFF;
	(pc) =	sbr.abs _section_cstart, $3  }
0xc1: {  	[dreg:$0x1] =	wrdreg $0xFFFFFFFF  }
0xc2: {  	_ =	task.clear_ibuf [dreg:s7], $0x2FFFF;
	_ =	strace $0x9FFFFFFF  }
0xc3: {  	(tm) =	ssettm $0x7FFFFFFF  }
tec
execute0_lowered:
.L_overlay_start_1:
0x0: {  	(tag) =	ssettag $0x1  }
0x1: {  	s9 =	rddreg [dreg:$0x0]  }
0x2: {  	s11 =	rddreg [dreg:$0x1]  }
0x3: {  	s1 =	rddreg [dreg:$0x2]  }
0x4: {  	s0 =	rddreg [dreg:$0x3];
	s2 =	simm.s32 $0x0  }
0x5: {  	s3 =	srdreg.scid;
	s17 =	stileid.u32;
	s18 =	simm.s32 $0x2780  }
0x6: {  	s19 =	simm.s32 $0x80;
	s20 =	simm.s32 $0x10;
	s21 =	simm.s32 $0x2700  }
0x7: {  	s22 =	simm.s32 $0x0;
	[smem:$0x7FF] =	sst s2;
	s6 =	sand.u32 $0x1, s3  }
0x8: {  	s3 =	sadd.s32 $0x15400, s9;
	p0 =	sne.s32 s17, $0x0;
	_ =	strace $0x80000047  }
0x9: {  	s4 =	sshll.u32 s6, $0x4;
	s5 =	ssub.s32 $0x2, s6;
	s12 =	smul.u32 $0x2710, s6  }
0xa: {  	s6 =	sadd.s32 $0xFA0, s1;
	s7 =	sor.u32 s17, s4;
	s4 =	sadd.s32 $0x15600, s9  }
0xb: {  	s8 =	sshrl.u32 s5, $0x1;
	s17 =	simm.s32 $0x1;
	s10 =	smul.u32 $0x2710, s7  }
0xc: {  	s16 =	ssub.s32 s5, s8;
	s5 =	sadd.s32 $0x7D0, s1;
	s12 =	sshrl.u32 s12, $0x3  }
0xd: {  	s7 =	sadd.s32 $0x1770, s1;
	s8 =	sadd.s32 $0x1F40, s1;
	s11 =	sadd.s32 s11, s12  }
0xe: {  	s16 =	smax.u32 s16, $0x1;
	s10 =	sshrl.u32 s10, $0x3;
	s12 =	sadd.s32 $0xFA, s11  }
0xf: {  	s13 =	sadd.s32 $0x1F4, s11;
	s14 =	sadd.s32 $0x2EE, s11;
	s10 =	sadd.s32 s9, s10  }
0x10: {  	s15 =	sadd.s32 $0x3E8, s11;
	s9 =	sadd.s32 $0x2710, s1;
	s10 =	sadd.s32 $0xB640, s10  }
.LBB2_1:
0x11: {  	s23 =	simm.s32 @!p0 $0x0;
	s24 =	simm.s32 @!p0 $0x2800  }
0x12: {  	[tilespmem:s24], [sflag:$0x1] =	stream.linear.gather @!p0 [hbm4b:s4+s23], $0x800, $0x38;
	[tilespmem:$0x32F0] =	vst v63  }
0x13: {  	s23 =	simm.s32 @!p0 $0x1  }
0x14: {  	_ =	swait.ge @!p0 [sflag:s23], $0x800  }
0x15: {  	[sflag:s23] =	ssyncset.done @!p0 $0x0  }
0x16: {  	[sflag:s23] =	ssyncadd.s32 @!p0 $0xFFFFF800  }
0x17: {  	[spmem:s1] =	stream.linear.scatter @!p0 [tilespmem:s24], [sflag:$0x1], $0x7D0, $0x38;
	[tilespmem:$0x32F0] =	vst v63  }
0x18: {  	_ =	swait.ge @!p0 [sflag:s23], $0x7D0  }
0x19: {  	[sflag:s23] =	ssyncset.done @!p0 $0x0  }
0x1a: {  	[sflag:s23] =	ssyncadd.s32 @!p0 $0xFFFFF830  }
0x1b: {  	[spmem:s5] =	stream.linear.scatter @!p0 [tilespmem:s24], [sflag:$0x1], $0x7D0, $0x38;
	[tilespmem:$0x32F0] =	vst v63  }
0x1c: {  	_ =	swait.ge @!p0 [sflag:s23], $0x7D0  }
0x1d: {  	[sflag:s23] =	ssyncset.done @!p0 $0x0  }
0x1e: {  	[sflag:s23] =	ssyncadd.s32 @!p0 $0xFFFFF830  }
0x1f: {  	[spmem:s6] =	stream.linear.scatter @!p0 [tilespmem:s24], [sflag:$0x1], $0x7D0, $0x38;
	[tilespmem:$0x32F0] =	vst v63  }
0x20: {  	_ =	swait.ge @!p0 [sflag:s23], $0x7D0  }
0x21: {  	[sflag:s23] =	ssyncset.done @!p0 $0x0  }
0x22: {  	[sflag:s23] =	ssyncadd.s32 @!p0 $0xFFFFF830  }
0x23: {  	[spmem:s7] =	stream.linear.scatter @!p0 [tilespmem:s24], [sflag:$0x1], $0x7D0, $0x38;
	[tilespmem:$0x32F0] =	vst v63  }
0x24: {  	_ =	swait.ge @!p0 [sflag:s23], $0x7D0  }
0x25: {  	[sflag:s23] =	ssyncset.done @!p0 $0x0  }
0x26: {  	[sflag:s23] =	ssyncadd.s32 @!p0 $0xFFFFF830  }
0x27: {  	[spmem:s8] =	stream.linear.scatter @!p0 [tilespmem:s24], [sflag:$0x1], $0x7D0, $0x38;
	[tilespmem:$0x32F0] =	vst v63  }
0x28: {  	_ =	swait.ge @!p0 [sflag:s23], $0x7D0  }
0x29: {  	[sflag:s23] =	ssyncset.done @!p0 $0x0  }
0x2a: {  	[sflag:s23] =	ssyncadd.s32 @!p0 $0xFFFFF830  }
0x2b: {  	[spmem:s9] =	stream.linear.scatter @!p0 [tilespmem:s24], [sflag:$0x1], $0x7D0, $0x38;
	[tilespmem:$0x32F0] =	vst v63  }
0x2c: {  	_ =	swait.ge @!p0 [sflag:s23], $0x7D0  }
0x2d: {  	[sflag:s23] =	ssyncset.done @!p0 $0x0  }
0x2e: {  	[sflag:s23] =	ssyncadd.s32 @!p0 $0xFFFFF830  }
0x2f: {  	[tilespmem:s2], [sflag:$0x1] =	stream.linear.gather [hbm4b:s10+s2], $0x2710, $0x38;
	[tilespmem:$0x32F0] =	vst v63  }
0x30: {  	_ =	swait.ge [sflag:s17], $0x2710  }
0x31: {  	[sflag:s17] =	ssyncset.done $0x0  }
0x32: {  	[sflag:s17] =	ssyncadd.s32 $0xFFFFD8F0  }
0x33: {  	[tilespmem:s18], [sflag:$0x1] =	stream.linear.gather [hbm4b:s3+s2], $0x80, $0x38;
	[tilespmem:$0x32F0] =	vst v63  }
0x34: {  	_ =	swait.ge [sflag:s17], $0x80  }
0x35: {  	[sflag:s17] =	ssyncset.done $0x0  }
0x36: {  	[sflag:s17] =	ssyncadd.s32 $0xFFFFFF80  }
0x37: {  	s31 =	simm.s32 $0x0;
	[bflag:$0x0] =	sbarrier.arrive $0xFFFF  }
0x38: {  	[spmem:s1] =	stream.indirect.scatter.add.f32 [tilespmem:s18], [sflag:$0x1], $0x1, s31, s19, $0xb8;
	[tilespmem:$0x32F0] =	vst v63  }
0x39: {  	_ =	swait.ge [sflag:s17], $0x80  }
0x3a: {  	s23 =	simm.s32 $0x200;
	[sflag:s17] =	ssyncset.done $0x0  }
.LBB2_2:
0x3b: {  	s24 =	sshra.s32 s23, $0x2;
	[sflag:s17] =	ssyncadd.s32 $0xFFFFFF80;
	p1 =	sne.s32 s23, $0x9A00  }
0x3c: {  	[spmem:s1] =	stream.indirect.scatter.add.f32 [tilespmem:s18], [sflag:$0x1], $0x1, s24, s19, $0xb8;
	[tilespmem:$0x32F0] =	vst v63  }
.Ltmp0:
0x3d: {  	_ = 	snop;
	(pc) =	sbr.rel @p1 .LBB2_2-.Ltmp0, $4  }
0x3e: {  	_ = 	snop  }
0x3f: {  	s23 =	sadd.s32 $0x200, s23  }
0x40: {  	_ =	swait.ge [sflag:s17], $0x80  }
0x41: {  	[sflag:s17] =	ssyncset.done $0x0  }
0x42: {  	[sflag:s17] =	ssyncadd.s32 $0xFFFFFF80  }
0x43: {  	[spmem:s1] =	stream.indirect.scatter.add.f32 [tilespmem:s18], [sflag:$0x1], $0x1, s21, s20, $0xb8;
	[tilespmem:$0x32F0] =	vst v63  }
0x44: {  	_ =	swait.ge [sflag:s17], $0x10  }
0x45: {  	[sflag:s17] =	ssyncset.done $0x0  }
0x46: {  	[sflag:s17] =	ssyncadd.s32 $0xFFFFFFF0  }
0x47: {  	s23 =	simm.s32 @!p0 $0x2800;
	s24 =	simm.s32 @!p0 $0x1;
	[bflag:$0x0] =	sbarrier.arrive $0xFFFF  }
0x48: {  	[tilespmem:s23], [sflag:$0x1] =	stream.linear.gather @!p0 [spmem:s1], $0x7D0, $0x38;
	[tilespmem:$0x32F0] =	vst v63  }
0x49: {  	_ =	swait.ge @!p0 [sflag:s24], $0x7D0  }
0x4a: {  	[sflag:s24] =	ssyncset.done @!p0 $0x0  }
0x4b: {  	s25 =	simm.s32 @!p0 $0x0;
	[sflag:s24] =	ssyncadd.s32 @!p0 $0xFFFFF830  }
0x4c: {  	[hbm4b:s11+s25] =	stream.linear.scatter @!p0 [tilespmem:s23], [sflag:$0x1], $0x7D0, $0x38;
	[tilespmem:$0x32F0] =	vst v63  }
0x4d: {  	_ =	swait.ge @!p0 [sflag:s24], $0x7D0  }
0x4e: {  	[sflag:s24] =	ssyncset.done @!p0 $0x0  }
0x4f: {  	[sflag:s24] =	ssyncadd.s32 @!p0 $0xFFFFF830  }
0x50: {  	[tilespmem:s23], [sflag:$0x1] =	stream.linear.gather @!p0 [spmem:s5], $0x7D0, $0x38;
	[tilespmem:$0x32F0] =	vst v63  }
0x51: {  	_ =	swait.ge @!p0 [sflag:s24], $0x7D0  }
0x52: {  	[sflag:s24] =	ssyncset.done @!p0 $0x0  }
0x53: {  	[sflag:s24] =	ssyncadd.s32 @!p0 $0xFFFFF830  }
0x54: {  	[hbm4b:s12+s25] =	stream.linear.scatter @!p0 [tilespmem:s23], [sflag:$0x1], $0x7D0, $0x38;
	[tilespmem:$0x32F0] =	vst v63  }
0x55: {  	_ =	swait.ge @!p0 [sflag:s24], $0x7D0  }
0x56: {  	[sflag:s24] =	ssyncset.done @!p0 $0x0  }
0x57: {  	[sflag:s24] =	ssyncadd.s32 @!p0 $0xFFFFF830  }
0x58: {  	[tilespmem:s23], [sflag:$0x1] =	stream.linear.gather @!p0 [spmem:s6], $0x7D0, $0x38;
	[tilespmem:$0x32F0] =	vst v63  }
0x59: {  	_ =	swait.ge @!p0 [sflag:s24], $0x7D0  }
0x5a: {  	[sflag:s24] =	ssyncset.done @!p0 $0x0  }
0x5b: {  	[sflag:s24] =	ssyncadd.s32 @!p0 $0xFFFFF830  }
0x5c: {  	[hbm4b:s13+s25] =	stream.linear.scatter @!p0 [tilespmem:s23], [sflag:$0x1], $0x7D0, $0x38;
	[tilespmem:$0x32F0] =	vst v63  }
0x5d: {  	_ =	swait.ge @!p0 [sflag:s24], $0x7D0  }
0x5e: {  	[sflag:s24] =	ssyncset.done @!p0 $0x0  }
0x5f: {  	[sflag:s24] =	ssyncadd.s32 @!p0 $0xFFFFF830  }
0x60: {  	[tilespmem:s23], [sflag:$0x1] =	stream.linear.gather @!p0 [spmem:s7], $0x7D0, $0x38;
	[tilespmem:$0x32F0] =	vst v63  }
0x61: {  	_ =	swait.ge @!p0 [sflag:s24], $0x7D0  }
0x62: {  	[sflag:s24] =	ssyncset.done @!p0 $0x0  }
0x63: {  	[sflag:s24] =	ssyncadd.s32 @!p0 $0xFFFFF830  }
0x64: {  	[hbm4b:s14+s25] =	stream.linear.scatter @!p0 [tilespmem:s23], [sflag:$0x1], $0x7D0, $0x38;
	[tilespmem:$0x32F0] =	vst v63  }
0x65: {  	_ =	swait.ge @!p0 [sflag:s24], $0x7D0  }
0x66: {  	[sflag:s24] =	ssyncset.done @!p0 $0x0  }
0x67: {  	[sflag:s24] =	ssyncadd.s32 @!p0 $0xFFFFF830  }
0x68: {  	[tilespmem:s23], [sflag:$0x1] =	stream.linear.gather @!p0 [spmem:s8], $0x7D0, $0x38;
	[tilespmem:$0x32F0] =	vst v63  }
0x69: {  	s22 =	sadd.s32 $0x1, s22;
	_ =	swait.ge @!p0 [sflag:s24], $0x7D0  }
0x6a: {  	p1 =	sne.s32 s22, s16;
	[sflag:s24] =	ssyncset.done @!p0 $0x0  }
.Ltmp1:
0x6b: {  	[sflag:s24] =	ssyncadd.s32 @!p0 $0xFFFFF830;
	(pc) =	sbr.rel @p1 .LBB2_1-.Ltmp1, $4  }
0x6c: {  	[hbm4b:s15+s25] =	stream.linear.scatter @!p0 [tilespmem:s23], [sflag:$0x1], $0x7D0, $0x38;
	[tilespmem:$0x32F0] =	vst v63  }
0x6d: {  	_ =	swait.ge @!p0 [sflag:s24], $0x7D0  }
0x6e: {  	[sflag:s24] =	ssyncset.done @!p0 $0x0  }
0x6f: {  	[sflag:s24] =	ssyncadd.s32 @!p0 $0xFFFFF830  }
0x70: {  	_ =	sfence.sel $0x180000  }
0x71: {  	[bflag:$0x0] =	sbarrier.arrive $0xFFFF  }
0x72: {  	_ =	strace $0x90000047  }
0x73: {  	s0 =	sadd.s32 @!p0 $0x100000, s0;
	[bflag:$0x2] =	sbarrier.arrive $0xFFFF  }
0x74: {  	[sflag:s0] =	ssyncadd.tile.s32 @!p0 $0x1;
	_ =	shalt  }
.Lfunc_end2:
_tile_overlayer_lowered:
.L_overlay_start_2:
0x75: {  	(tag) =	ssettag $0x2  }
0x76: {  	s0 =	rddreg [dreg:$0x0];
	s2 =	stileid.u32  }
0x77: {  	s1 =	rddreg [dreg:$0x1];
	p0 =	sne.s32 s2, $0x0  }
0x78: {  	s3 =	rddreg [dreg:$0x2];
	[bflag:$0x3] =	sbarrier.arrive $0xFFFF;
	s2 =	simm.s32 @!p0 $0x1C01  }
0x79: {  	[timem:s3], [sflag:s2] =	dma.local @!p0 [hbm:s0], s1  }
0x7a: {  	s0 =	simm.s32 @!p0 $0x1  }
0x7b: {  	_ =	swait.ge @!p0 [sflag:s0], s1  }
0x7c: {  	s1 =	ssub.s32 @!p0 $0x0, s1;
	[sflag:s0] =	ssyncset.done @!p0 $0x0  }
0x7d: {  	[sflag:s0] =	ssyncadd.s32 @!p0 s1  }
0x7e: {  	[bflag:$0x3] =	sbarrier.arrive $0xFFFF  }
0x7f: {  	_ =	shalt  }

// kernel: kernel.9.cloned.1.call-start
scs
__scs_entry_jumppad:
0x0: {  	(pc) =	sbr.rel $0x88, $3  }
0x1: {  	(tag) =	ssettag $0x0;
	lr =	simm.s32 $0x1  }
0x2: {  	[smem:$0x3F9D] =	sst lr;
	_ =	strace $0xD0000000  }
0x3: {  	_ = 	snop  }
0x4: {  	_ = 	snop  }
0x5: {  	_ = 	snop  }
0x6: {  	_ = 	snop  }
0x7: {  	_ = 	snop  }
__scs_overlays_trampoline_lowered:
0x8: {  	[smem:$0x3FAC] =	sst s0  }
0x9: {  	[smem:$0x3FAD] =	sst s1  }
0xa: {  	[smem:$0x3FAE] =	sst s2  }
0xb: {  	[smem:$0x3FAF] =	sst s3  }
0xc: {  	[smem:$0x3FB0] =	sst s4  }
0xd: {  	[smem:$0x3FB1] =	sst s5  }
0xe: {  	[smem:$0x3FB2] =	sst s6  }
0xf: {  	[smem:$0x3FB3] =	sst s7  }
0x10: {  	[smem:$0x3FB4] =	sst s8  }
0x11: {  	[smem:$0x3FB5] =	sst s9;
	s0 =	simm.s32 @!p0 $0x0  }
0x12: {  	s1 =	sld [smem:$0x3F9B];
	s0 =	simm.s32 @p0 $0x1  }
0x13: {  	[smem:$0x3FB6] =	sst s0;
	s0 =	simm.s32 @!p1 $0x0  }
0x14: {  	s2 =	sld [smem:$0x3F9A];
	s0 =	simm.s32 @p1 $0x1  }
0x15: {  	[smem:$0x3FB7] =	sst s0;
	s0 =	simm.s32 @!p2 $0x0  }
0x16: {  	s3 =	sld [smem:$0x3FDB];
	s0 =	simm.s32 @p2 $0x1  }
0x17: {  	s4 =	simm.s32 $0x1BF5;
	[smem:$0x3FB9] =	sst s0  }
0x18: {  	s0 =	sld [smem:$0x3F9C];
	_ =	swait.ge [sflag:s4], $0x0  }
0x19: {  	s7 =	sld [smem:$0x3F9D]  }
0x1a: {  	s8 =	sadd.s32 $0xFFFFE003, lr  }
0x1b: {  	s9 =	sadd.s32 $0xFFFFFEF7, lr;
	s5 =	simm.s32 $0xFFFFFFFF;
	p2 =	slt.u32 s8, $0xFFFFF086  }
0x1c: {  	p1 =	slt.u32 s9, $0xF7A;
	s5 =	simm.s32 @!p2 $0x0  }
0x1d: {  	s5 =	simm.s32 @p1 $0x1;
	p0 =	seq.s32 s7, s2  }
0x1e: {  	s7 =	smul.u32 @!p0 $0xF7A, s2;
	p2 =	seq.s32 @!p0 s5, $0x0  }
0x1f: {  	s9 =	smul.u32 $0xF7A, s1;
	s8 =	simm.s32 @!p0 $0x1BF5;
	p2 =	por !p2, p0  }
0x20: {  	[sflag:s8] =	ssyncset.s32 @!p0 $0xFFFFF086;
	s6 =	sadd.s32 @!p0 s3, s7;
	s7 =	simm.s32 @!p0 $0x108  }
0x21: {  	s3 =	sadd.s32 s3, s9;
	s6 =	sadd.s32 @!p0 $0x88, s6;
	s7 =	simm.s32 @p2 $0x1082  }
0x22: {  	[simem:s7], [sflag:s8] =	dma.local @!p0 [hbm:s6], $0xF7A  }
0x23: {  	s9 =	sor.u32 $0xD0000000, s2;
	s6 =	simm.s32 $0x108;
	_ =	swait.ge @!p0 [sflag:s8], $0x0  }
0x24: {  	s3 =	sadd.s32 $0x88, s3;
	s6 =	simm.s32 @!p1 $0x1082;
	[sflag:s4] =	ssyncset.s32 $0xFFFFF086  }
0x25: {  	[simem:s6], [sflag:s4] =	dma.local [hbm:s3], $0xF7A  }
0x26: {  	[smem:$0x3F9D] =	sst s1;
	(tag) =	ssettag s2;
	_ =	strace s9  }
0x27: {  	s1 =	sld [smem:$0x3FAD]  }
0x28: {  	s2 =	sld [smem:$0x3FAE]  }
0x29: {  	s4 =	sld [smem:$0x3FB0]  }
0x2a: {  	p0 =	seq.s32 s5, $0x0;
	s5 =	sld [smem:$0x3FB1]  }
0x2b: {  	s6 =	sld [smem:$0x3FB2]  }
0x2c: {  	s7 =	sld [smem:$0x3FB3]  }
0x2d: {  	s3 =	simm.s32 $0x108;
	s8 =	sld [smem:$0x3FB4]  }
0x2e: {  	s3 =	simm.s32 @!p0 $0x1082;
	s9 =	sld [smem:$0x3FB5]  }
0x2f: {  	lr =	sadd.s32 s0, s3;
	s0 =	sld [smem:$0x3FAC]  }
0x30: {  	s3 =	sld [smem:$0x3FAF]  }
0x31: {  	[smem:$0x3FB8] =	sst s10  }
0x32: {  	s10 =	sld [smem:$0x3FB6];
	_ =	sdelay $0x3  }
0x33: {  	p0 =	seq.s32 s10, $0x1;
	s10 =	sld [smem:$0x3FB8];
	_ =	sdelay $0x3  }
0x34: {  	[smem:$0x3FB8] =	sst s10  }
0x35: {  	s10 =	sld [smem:$0x3FB7];
	_ =	sdelay $0x3  }
0x36: {  	p1 =	seq.s32 s10, $0x1;
	s10 =	sld [smem:$0x3FB8];
	_ =	sdelay $0x3  }
0x37: {  	[smem:$0x3FB8] =	sst s10  }
0x38: {  	s10 =	sld [smem:$0x3FB9]  }
0x39: {  	_ = 	snop;
	(pc) =	sbr.ind lr, $3  }
0x3a: {  	_ = 	snop  }
0x3b: {  	_ = 	snop  }
0x3c: {  	p2 =	seq.s32 s10, $0x1;
	s10 =	sld [smem:$0x3FB8]  }
0x3d: {  	_ =	shalt  }
0x3e: {  	_ =	shalt  }
0x3f: {  	_ =	shalt  }
0x40: {  	_ =	shalt  }
0x41: {  	_ =	shalt  }
0x42: {  	_ =	shalt  }
0x43: {  	_ =	shalt  }
0x44: {  	_ =	shalt  }
0x45: {  	_ =	shalt  }
0x46: {  	_ =	shalt  }
0x47: {  	_ =	shalt  }
0x48: {  	_ =	shalt  }
0x49: {  	_ =	shalt  }
0x4a: {  	_ =	shalt  }
0x4b: {  	_ =	shalt  }
0x4c: {  	_ =	shalt  }
0x4d: {  	_ =	shalt  }
0x4e: {  	_ =	shalt  }
0x4f: {  	_ =	shalt  }
0x50: {  	_ =	shalt  }
0x51: {  	_ =	shalt  }
0x52: {  	_ =	shalt  }
0x53: {  	_ =	shalt  }
0x54: {  	_ =	shalt  }
0x55: {  	_ =	shalt  }
0x56: {  	_ =	shalt  }
0x57: {  	_ =	shalt  }
0x58: {  	_ =	shalt  }
0x59: {  	_ =	shalt  }
0x5a: {  	_ =	shalt  }
0x5b: {  	_ =	shalt  }
0x5c: {  	_ =	shalt  }
0x5d: {  	_ =	shalt  }
0x5e: {  	_ =	shalt  }
0x5f: {  	_ =	shalt  }
0x60: {  	_ =	shalt  }
0x61: {  	_ =	shalt  }
0x62: {  	_ =	shalt  }
0x63: {  	_ =	shalt  }
0x64: {  	_ =	shalt  }
0x65: {  	_ =	shalt  }
0x66: {  	_ =	shalt  }
0x67: {  	_ =	shalt  }
0x68: {  	_ =	shalt  }
0x69: {  	_ =	shalt  }
0x6a: {  	_ =	shalt  }
0x6b: {  	_ =	shalt  }
0x6c: {  	_ =	shalt  }
0x6d: {  	_ =	shalt  }
0x6e: {  	_ =	shalt  }
0x6f: {  	_ =	shalt  }
0x70: {  	_ =	shalt  }
0x71: {  	_ =	shalt  }
0x72: {  	_ =	shalt  }
0x73: {  	_ =	shalt  }
0x74: {  	_ =	shalt  }
0x75: {  	_ =	shalt  }
0x76: {  	_ =	shalt  }
0x77: {  	_ =	shalt  }
0x78: {  	_ =	shalt  }
0x79: {  	_ =	shalt  }
0x7a: {  	_ =	shalt  }
0x7b: {  	_ =	shalt  }
0x7c: {  	_ =	shalt  }
0x7d: {  	_ =	shalt  }
0x7e: {  	_ =	shalt  }
0x7f: {  	_ =	shalt  }
0x80: {  	_ =	shalt  }
0x81: {  	_ =	shalt  }
0x82: {  	_ =	shalt  }
0x83: {  	_ =	shalt  }
0x84: {  	_ =	shalt  }
0x85: {  	_ =	shalt  }
0x86: {  	_ =	shalt  }
0x87: {  	_ =	shalt  }
.Lfunc_end0:
.L_simem_size_0:
called_computation.1_lowered:
.L_overlay_start_0:
0x88: {  	s2 =	sld [smem:$0x3FD9]  }
0x89: {  	s3 =	sld [smem:$0x3FFE];
	_ =	sdelay $0x1  }
0x8a: {  	s1 =	srdreg.scid  }
0x8b: {  	s0 =	sand.u32 $0x1, s1  }
0x8c: {  	s17 =	sshll.u32 s0, $0xA;
	s2 =	sadd.s32 s3, s2  }
0x8d: {  	s2 =	sadd.s32 s2, s17  }
0x8e: {  	[smem:$0x3FC4] =	sst s2  }
0x8f: {  	_ = 	snop  }
0x90: {  	s2 =	sld [smem:$0x3FD0];
	(tm) =	ssettm $0x1  }
0x91: {  	s18 =	sld [smem:$0x3FFB];
	_ =	sdelay $0x3  }
0x92: {  	_ =	strace s18  }
0x93: {  	s3 =	sld [smem:$0x3FFC];
	_ =	sdelay $0x3  }
0x94: {  	_ =	strace s3  }
0x95: {  	s3 =	sld [smem:$0x3FFD];
	_ =	sdelay $0x3  }
0x96: {  	_ =	strace s3  }
0x97: {  	_ =	strace $0x8FFFFFFF  }
0x98: {  	s19 =	sld [smem:$0x3FDB];
	_ =	sdelay $0x1  }
0x99: {  	s4 =	simm.s32 $_scs_section_size  }
0x9a: {  	s5 =	simm.s32 $_size__tile_overlayer_lowered;
	s6 =	simm.s32 $_tile_overlayer_lowered  }
0x9b: {  	s22 =	simm.s32 $0x1BFF;
	s21 =	sshll.u32 s6, $0x1;
	s3 =	sadd.s32 s4, s19  }
0x9c: {  	s7 =	simm.s32 $0x0;
	s20 =	sshll.u32 s5, $0x1;
	s5 =	sadd.s32 s21, s3  }
0x9d: {  	[timem:s7], [sflag:s22] =	dma.local [hbm:s5], s20  }
0x9e: {  	_ =	swait.ge [sflag:s22], s20  }
0x9f: {  	s4 =	ssub.s32 $0x0, s20;
	[sflag:s22] =	ssyncset.done $0x0  }
0xa0: {  	[sflag:s22] =	ssyncadd.s32 s4;
	_ =	sdelay $0x1  }
0xa1: {  	s23 =	simm.s32 $0x1B8B  }
0xa2: {  	_ =	swait.ge [sflag:s23], $0x1  }
0xa3: {  	[sflag:s23] =	ssyncset.done $0x0  }
0xa4: {  	s25 =	simm.s32 $0x1B8E;
	s24 =	sld [smem:$0x3FFE];
	[sflag:s23] =	ssyncadd.s32 $0xFFFFFFFF  }
0xa5: {  	s26 =	simm.s32 $execute0_lowered;
	[smem:$0x3FD2] =	sst s25  }
0xa6: {  	s5 =	sshll.u32 s26, $0x1;
	_ =	strace $0x80000049;
	[dreg:$0x1] =	wrdreg $0xFFFFFFFF  }
0xa7: {  	s28 =	simm.s32 $_size_execute0_lowered;
	s3 =	sadd.s32 s3, s5;
	[dreg:$0x0] =	wrdreg $0x0  }
0xa8: {  	s5 =	sshll.u32 s28, $0x1;
	[dreg:$0x2] =	wrdreg s3  }
0xa9: {  	[dreg:$0x3] =	wrdreg s5  }
0xaa: {  	[dreg:$0x4] =	wrdreg $0xC0  }
0xab: {  	_ =	task [dreg:s7], $0x5FFFF  }
0xac: {  	[dreg:$0x1] =	wrdreg $0xFFFFFFFF  }
0xad: {  	[dreg:$0x0] =	wrdreg $0x60  }
0xae: {  	[dreg:$0x2] =	wrdreg s2  }
0xaf: {  	[dreg:$0x3] =	wrdreg s24  }
0xb0: {  	[dreg:$0x4] =	wrdreg $0xA8000  }
0xb1: {  	[dreg:$0x5] =	wrdreg $0x9  }
0xb2: {  	_ =	task.clear_ibuf [dreg:s7], $0x6FFFF;
	_ =	strace $0x90000049  }
0xb3: {  	s29 =	simm.s32 $0x9;
	_ =	strace $0x8000004B  }
0xb4: {  	_ =	swait.ge [sflag:s29], $0x1  }
0xb5: {  	[sflag:s29] =	ssyncadd.s32 $0xFFFFFFFF  }
0xb6: {  	_ =	strace $0x9000004B  }
0xb7: {  	_ =	sfence  }
0xb8: {  	s30 =	sld [smem:$0x0];
	_ =	sdelay $0x2  }
0xb9: {  	s31 =	sshll.u32 s1, $0xD;
	s1 =	sshrl.u32 s1, $0x2  }
0xba: {  	s3 =	sand.u32 $0x4000, s31;
	s1 =	sadd.s32 s1, s30  }
0xbb: {  	s0 =	sor.u32 s3, s0;
	s1 =	sshll.u32 s1, $0x11  }
0xbc: {  	s0 =	sor.u32 s1, s0  }
0xbd: {  	s0 =	sadd.s32 $0x8F2B, s0  }
0xbe: {  	[sflag:s0] =	ssyncadd.remote.s32 $0x1  }
0xbf: {  	_ =	sfence.sel $0xFFFF  }
0xc0: {  	[dreg:$0x0] =	wrdreg $0xFFFFFFFF;
	(pc) =	sbr.abs _section_cstart, $3  }
0xc1: {  	[dreg:$0x1] =	wrdreg $0xFFFFFFFF  }
0xc2: {  	_ =	task.clear_ibuf [dreg:s7], $0x2FFFF;
	_ =	strace $0x9FFFFFFF  }
0xc3: {  	(tm) =	ssettm $0x7FFFFFFF  }
tec
execute0_lowered:
.L_overlay_start_1:
0x0: {  	(tag) =	ssettag $0x1  }
0x1: {  	s1 =	rddreg [dreg:$0x0]  }
0x2: {  	s0 =	rddreg [dreg:$0x1]  }
0x3: {  	s2 =	rddreg [dreg:$0x2];
	s4 =	simm.s32 $0x0  }
0x4: {  	s3 =	srdreg.scid;
	s16 =	stileid.u32;
	s17 =	simm.s32 $0x1400  }
0x5: {  	s18 =	simm.s32 $0x80;
	s19 =	simm.s32 $0x2800;
	s20 =	simm.s32 $0x6800  }
0x6: {  	s21 =	simm.s32 $0x1;
	s22 =	simm.s32 $0x2;
	s28 =	simm.s32 $0x8  }
0x7: {  	s29 =	simm.s32 $0x1380;
	s30 =	simm.s32 $0x2780;
	s31 =	simm.s32 $0x0  }
0x8: {  	[smem:$0x7FF] =	sst s4;
	s3 =	sand.u32 $0x1, s3;
	s9 =	sadd.s32 $0x1A00, s0  }
0x9: {  	s7 =	smul.u32 $0x4F000, s16;
	s5 =	sadd.s32 $0x15400, s0;
	s0 =	sadd.s32 $0x17C00, s0  }
0xa: {  	s13 =	sadd.s32 $0x128400, s2;
	s14 =	smul.u32 $0x2780, s16;
	p0 =	seq.s32 s16, $0xF  }
0xb: {  	_ =	strace $0x8000004A;
	s6 =	sshll.u32 s3, $0x4;
	s23 =	smul.u32 $0x27100, s3  }
0xc: {  	s8 =	ssub.s32 $0x2, s3;
	s3 =	smul.u32 $0x138800, s3;
	s13 =	sshrl.u32 @p0 s13, $0x3  }
0xd: {  	s6 =	sor.u32 s16, s6;
	s10 =	sshrl.u32 s8, $0x1;
	s7 =	sshrl.u32 s7, $0x2  }
0xe: {  	s11 =	smul.u32 $0x2710, s6;
	s12 =	ssub.s32 s8, s10;
	s15 =	sadd.s32 s7, s2  }
0xf: {  	s10 =	sadd.s32 s14, s23;
	s3 =	sshrl.u32 s3, $0x3;
	s23 =	simm.s32 $0x2600  }
0x10: {  	s10 =	sadd.s32 s0, s10;
	s0 =	sadd.s32 s0, s3;
	s12 =	smax.u32 s12, $0x1  }
0x11: {  	s15 =	sshrl.u32 @!p0 s15, $0x3;
	s6 =	sshrl.u32 s11, $0x3;
	s24 =	sadd.s32 $0x1388, s11  }
0x12: {  	s11 =	sadd.s32 $0x4F588, s11;
	s6 =	sadd.s32 s9, s6;
	s25 =	sshrl.u32 s24, $0x3  }
0x13: {  	s11 =	sshrl.u32 s11, $0x3;
	s24 =	simm.s32 $0x1300;
	s26 =	sadd.s32 $0x9C40, s6  }
0x14: {  	s8 =	sadd.s32 s9, s25;
	s9 =	sadd.s32 s9, s11;
	s11 =	sadd.s32 $0x25080, s0  }
0x15: {  	s0 =	sshll.u32 @!p0 s16, $0x6;
	s16 =	simm.s32 $0x3;
	s25 =	simm.s32 $0x2680  }
0x16: {  	[dreg:$0x4] =	wrdreg s26;
	s14 =	sor.u32 @!p0 $0x1C03, s0;
	s26 =	simm.s32 $0x2700  }
.LBB2_1:
0x17: {  	s0 =	simm.s32 @p0 $0x1FC3  }
0x18: {  	[spmem:s13], [sflag:s0] =	dma.local @p0 [hbm:s5], $0x2080  }
0x19: {  	s0 =	simm.s32 @p0 $0x3  }
0x1a: {  	_ =	swait.ge @p0 [sflag:s0], $0x2080  }
0x1b: {  	[sflag:s0] =	ssyncset.done @p0 $0x0  }
0x1c: {  	[sflag:s0] =	ssyncadd.s32 @p0 $0xFFFFDF80;
	s0 =	simm.s32 @!p0 $0x3  }
0x1d: {  	[spmem:s15], [sflag:s14] =	dma.local @!p0 [hbm:s5], $0x2780  }
0x1e: {  	_ =	swait.ge @!p0 [sflag:s0], $0x2780  }
0x1f: {  	[sflag:s0] =	ssyncset.done @!p0 $0x0  }
0x20: {  	[sflag:s0] =	ssyncadd.s32 @!p0 $0xFFFFD880  }
0x21: {  	[bflag:$0x0] =	sbarrier.arrive $0xFFFF  }
0x22: {  	[tilespmem:s4], [sflag:$0x3] =	stream.linear.gather [hbm4b:s6+s4], $0x1388, $0x38;
	[tilespmem:$0x1E080] =	vst v63  }
0x23: {  	_ =	swait.ge [sflag:s16], $0x1388  }
0x24: {  	[sflag:s16] =	ssyncset.done $0x0  }
0x25: {  	s3 =	rddreg [dreg:$0x4];
	[sflag:s16] =	ssyncadd.s32 $0xFFFFEC78  }
0x26: {  	[tilespmem:s17], [sflag:$0x3] =	stream.linear.gather [hbm4b:s3+s4], $0x1388, $0x38;
	[tilespmem:$0x1E080] =	vst v63  }
0x27: {  	_ =	swait.ge [sflag:s16], $0x1388  }
0x28: {  	[sflag:s16] =	ssyncset.done $0x0  }
0x29: {  	[sflag:s16] =	ssyncadd.s32 $0xFFFFEC78  }
0x2a: {  	[tilespmem:s19], [sflag:$0x1] =	stream.indirect.gather [hbm4b:s1+s18], $0x80, s4, s18, $0xb8;
	[tilespmem:$0x1E080] =	vst v63  }
0x2b: {  	_ = 	snop  }
0x2c: {  	[tilespmem:s20], [sflag:$0x2] =	stream.indirect.gather [hbm4b:s1+s18], $0x80, s18, s18, $0xb8;
	[tilespmem:$0x1E080] =	vst v63  }
0x2d: {  	_ =	swait.ge [sflag:s21], $0x4000  }
0x2e: {  	[sflag:s21] =	ssyncset.done $0x0  }
0x2f: {  	s7 =	simm.s32 $0x1400;
	[sflag:s21] =	ssyncadd.s32 $0xFFFFC000  }
0x30: {  	[spmem:s2] =	stream.indirect.scatter.add.f32 [tilespmem:s19], [sflag:$0x3], $0x80, s7, s18, $0xb8;
	[tilespmem:$0x1E080] =	vst v63  }
0x31: {  	_ =	swait.ge [sflag:s16], $0x4000  }
0x32: {  	[sflag:s16] =	ssyncset.done $0x0  }
0x33: {  	s3 =	simm.s32 $0x100;
	[sflag:s16] =	ssyncadd.s32 $0xFFFFC000  }
0x34: {  	[tilespmem:s19], [sflag:$0x1] =	stream.indirect.gather [hbm4b:s1+s18], $0x80, s3, s18, $0xb8;
	[tilespmem:$0x1E080] =	vst v63  }
0x35: {  	_ =	swait.ge [sflag:s22], $0x4000  }
0x36: {  	[sflag:s22] =	ssyncset.done $0x0  }
0x37: {  	s7 =	simm.s32 $0x1480;
	[sflag:s22] =	ssyncadd.s32 $0xFFFFC000  }
0x38: {  	[spmem:s2] =	stream.indirect.scatter.add.f32 [tilespmem:s20], [sflag:$0x3], $0x80, s7, s18, $0xb8;
	[tilespmem:$0x1E080] =	vst v63  }
0x39: {  	_ =	swait.ge [sflag:s16], $0x4000  }
0x3a: {  	[sflag:s16] =	ssyncset.done $0x0  }
0x3b: {  	s0 =	simm.s32 $0x400;
	s3 =	simm.s32 $0x180;
	[sflag:s16] =	ssyncadd.s32 $0xFFFFC000  }
.LBB2_2:
0x3c: {  	[tilespmem:s20], [sflag:$0x2] =	stream.indirect.gather [hbm4b:s1+s18], $0x80, s3, s18, $0xb8;
	[tilespmem:$0x1E080] =	vst v63  }
0x3d: {  	s3 =	smov.u32 s0  }
0x3e: {  	p1 =	sne.s32 s0, $0x4400;
	s0 =	sadd.s32 $0x400, s0;
	_ =	swait.ge [sflag:s21], $0x4000  }
0x3f: {  	s3 =	sshra.s32 s3, $0x2;
	[sflag:s21] =	ssyncset.done $0x0  }
0x40: {  	s7 =	sadd.s32 $0x1400, s3;
	[sflag:s21] =	ssyncadd.s32 $0xFFFFC000  }
0x41: {  	[spmem:s2] =	stream.indirect.scatter.add.f32 [tilespmem:s19], [sflag:$0x3], $0x80, s7, s18, $0xb8;
	[tilespmem:$0x1E080] =	vst v63  }
0x42: {  	_ =	swait.ge [sflag:s16], $0x4000  }
0x43: {  	[sflag:s16] =	ssyncset.done $0x0  }
0x44: {  	s7 =	sadd.s32 $0x100, s3;
	[sflag:s16] =	ssyncadd.s32 $0xFFFFC000  }
0x45: {  	[tilespmem:s19], [sflag:$0x1] =	stream.indirect.gather [hbm4b:s1+s18], $0x80, s7, s18, $0xb8;
	[tilespmem:$0x1E080] =	vst v63  }
0x46: {  	_ =	swait.ge [sflag:s22], $0x4000  }
0x47: {  	[sflag:s22] =	ssyncset.done $0x0  }
.Ltmp0:
0x48: {  	s7 =	sadd.s32 $0x1480, s3;
	[sflag:s22] =	ssyncadd.s32 $0xFFFFC000;
	(pc) =	sbr.rel @p1 .LBB2_2-.Ltmp0, $4  }
0x49: {  	[spmem:s2] =	stream.indirect.scatter.add.f32 [tilespmem:s20], [sflag:$0x3], $0x80, s7, s18, $0xb8;
	[tilespmem:$0x1E080] =	vst v63  }
0x4a: {  	_ =	swait.ge [sflag:s16], $0x4000  }
0x4b: {  	[sflag:s16] =	ssyncset.done $0x0  }
0x4c: {  	s3 =	sadd.s32 $0x180, s3;
	[sflag:s16] =	ssyncadd.s32 $0xFFFFC000  }
0x4d: {  	[tilespmem:s20], [sflag:$0x2] =	stream.indirect.gather [hbm4b:s1+s18], $0x80, s3, s18, $0xb8;
	[tilespmem:$0x1E080] =	vst v63  }
0x4e: {  	_ =	swait.ge [sflag:s21], $0x4000  }
0x4f: {  	[sflag:s21] =	ssyncset.done $0x0  }
0x50: {  	[sflag:s21] =	ssyncadd.s32 $0xFFFFC000  }
0x51: {  	[spmem:s2] =	stream.indirect.scatter.add.f32 [tilespmem:s19], [sflag:$0x3], $0x80, s23, s18, $0xb8;
	[tilespmem:$0x1E080] =	vst v63  }
0x52: {  	_ =	swait.ge [sflag:s16], $0x4000  }
0x53: {  	[sflag:s16] =	ssyncset.done $0x0  }
0x54: {  	[sflag:s16] =	ssyncadd.s32 $0xFFFFC000  }
0x55: {  	[tilespmem:s19], [sflag:$0x1] =	stream.indirect.gather [hbm4b:s1+s18], $0x80, s24, s18, $0xb8;
	[tilespmem:$0x1E080] =	vst v63  }
0x56: {  	_ =	swait.ge [sflag:s22], $0x4000  }
0x57: {  	[sflag:s22] =	ssyncset.done $0x0  }
0x58: {  	[sflag:s22] =	ssyncadd.s32 $0xFFFFC000  }
0x59: {  	[spmem:s2] =	stream.indirect.scatter.add.f32 [tilespmem:s20], [sflag:$0x3], $0x80, s25, s18, $0xb8;
	[tilespmem:$0x1E080] =	vst v63  }
0x5a: {  	_ =	swait.ge [sflag:s16], $0x4000  }
0x5b: {  	[sflag:s16] =	ssyncset.done $0x0  }
0x5c: {  	[sflag:s16] =	ssyncadd.s32 $0xFFFFC000  }
0x5d: {  	_ =	swait.ge [sflag:s21], $0x4000  }
0x5e: {  	[sflag:s21] =	ssyncset.done $0x0  }
0x5f: {  	[sflag:s21] =	ssyncadd.s32 $0xFFFFC000  }
0x60: {  	[spmem:s2] =	stream.indirect.scatter.add.f32 [tilespmem:s19], [sflag:$0x3], $0x80, s26, s18, $0xb8;
	[tilespmem:$0x1E080] =	vst v63  }
0x61: {  	_ =	swait.ge [sflag:s16], $0x4000  }
0x62: {  	[sflag:s16] =	ssyncset.done $0x0  }
0x63: {  	[sflag:s16] =	ssyncadd.s32 $0xFFFFC000  }
0x64: {  	[tilespmem:s19], [sflag:$0x1] =	stream.indirect.gather [hbm4b:s1+s28], $0x80, s29, s28, $0xb8;
	[tilespmem:$0x1E080] =	vst v63  }
0x65: {  	_ =	swait.ge [sflag:s21], $0x400  }
0x66: {  	[sflag:s21] =	ssyncset.done $0x0  }
0x67: {  	[sflag:s21] =	ssyncadd.s32 $0xFFFFFC00  }
0x68: {  	[spmem:s2] =	stream.indirect.scatter.add.f32 [tilespmem:s19], [sflag:$0x3], $0x80, s30, s28, $0xb8;
	[tilespmem:$0x1E080] =	vst v63  }
0x69: {  	_ =	swait.ge [sflag:s16], $0x400  }
0x6a: {  	[sflag:s16] =	ssyncset.done $0x0  }
0x6b: {  	s0 =	simm.s32 $0x0;
	[sflag:s16] =	ssyncadd.s32 $0xFFFFFC00  }
0x6c: {  	[tilespmem:s0], [sflag:$0x3] =	stream.linear.gather [hbm4b:s8+s0], $0x1388, $0x38;
	[tilespmem:$0x1E080] =	vst v63  }
0x6d: {  	_ =	swait.ge [sflag:s16], $0x1388  }
0x6e: {  	[sflag:s16] =	ssyncset.done $0x0  }
0x6f: {  	[sflag:s16] =	ssyncadd.s32 $0xFFFFEC78  }
0x70: {  	[tilespmem:s17], [sflag:$0x3] =	stream.linear.gather [hbm4b:s9+s0], $0x1388, $0x38;
	[tilespmem:$0x1E080] =	vst v63  }
0x71: {  	_ =	swait.ge [sflag:s16], $0x1388  }
0x72: {  	[sflag:s16] =	ssyncset.done $0x0  }
0x73: {  	[sflag:s16] =	ssyncadd.s32 $0xFFFFEC78  }
0x74: {  	[tilespmem:s19], [sflag:$0x1] =	stream.indirect.gather [hbm4b:s1+s18], $0x80, s0, s18, $0xb8;
	[tilespmem:$0x1E080] =	vst v63  }
0x75: {  	_ = 	snop  }
0x76: {  	[tilespmem:s20], [sflag:$0x2] =	stream.indirect.gather [hbm4b:s1+s18], $0x80, s18, s18, $0xb8;
	[tilespmem:$0x1E080] =	vst v63  }
0x77: {  	_ =	swait.ge [sflag:s21], $0x4000  }
0x78: {  	[sflag:s21] =	ssyncset.done $0x0  }
0x79: {  	s7 =	simm.s32 $0x1400;
	[sflag:s21] =	ssyncadd.s32 $0xFFFFC000  }
0x7a: {  	[spmem:s2] =	stream.indirect.scatter.add.f32 [tilespmem:s19], [sflag:$0x3], $0x80, s7, s18, $0xb8;
	[tilespmem:$0x1E080] =	vst v63  }
0x7b: {  	_ =	swait.ge [sflag:s16], $0x4000  }
0x7c: {  	[sflag:s16] =	ssyncset.done $0x0  }
0x7d: {  	s3 =	simm.s32 $0x100;
	[sflag:s16] =	ssyncadd.s32 $0xFFFFC000  }
0x7e: {  	[tilespmem:s19], [sflag:$0x1] =	stream.indirect.gather [hbm4b:s1+s18], $0x80, s3, s18, $0xb8;
	[tilespmem:$0x1E080] =	vst v63  }
0x7f: {  	_ =	swait.ge [sflag:s22], $0x4000  }
0x80: {  	[sflag:s22] =	ssyncset.done $0x0  }
0x81: {  	s7 =	simm.s32 $0x1480;
	[sflag:s22] =	ssyncadd.s32 $0xFFFFC000  }
0x82: {  	[spmem:s2] =	stream.indirect.scatter.add.f32 [tilespmem:s20], [sflag:$0x3], $0x80, s7, s18, $0xb8;
	[tilespmem:$0x1E080] =	vst v63  }
0x83: {  	_ =	swait.ge [sflag:s16], $0x4000  }
0x84: {  	[sflag:s16] =	ssyncset.done $0x0  }
0x85: {  	s0 =	simm.s32 $0x400;
	s3 =	simm.s32 $0x180;
	[sflag:s16] =	ssyncadd.s32 $0xFFFFC000  }
.LBB2_4:
0x86: {  	[tilespmem:s20], [sflag:$0x2] =	stream.indirect.gather [hbm4b:s1+s18], $0x80, s3, s18, $0xb8;
	[tilespmem:$0x1E080] =	vst v63  }
0x87: {  	s3 =	smov.u32 s0  }
0x88: {  	p1 =	sne.s32 s0, $0x4400;
	s0 =	sadd.s32 $0x400, s0;
	_ =	swait.ge [sflag:s21], $0x4000  }
0x89: {  	s3 =	sshra.s32 s3, $0x2;
	[sflag:s21] =	ssyncset.done $0x0  }
0x8a: {  	s7 =	sadd.s32 $0x1400, s3;
	[sflag:s21] =	ssyncadd.s32 $0xFFFFC000  }
0x8b: {  	[spmem:s2] =	stream.indirect.scatter.add.f32 [tilespmem:s19], [sflag:$0x3], $0x80, s7, s18, $0xb8;
	[tilespmem:$0x1E080] =	vst v63  }
0x8c: {  	_ =	swait.ge [sflag:s16], $0x4000  }
0x8d: {  	[sflag:s16] =	ssyncset.done $0x0  }
0x8e: {  	s7 =	sadd.s32 $0x100, s3;
	[sflag:s16] =	ssyncadd.s32 $0xFFFFC000  }
0x8f: {  	[tilespmem:s19], [sflag:$0x1] =	stream.indirect.gather [hbm4b:s1+s18], $0x80, s7, s18, $0xb8;
	[tilespmem:$0x1E080] =	vst v63  }
0x90: {  	_ =	swait.ge [sflag:s22], $0x4000  }
0x91: {  	[sflag:s22] =	ssyncset.done $0x0  }
.Ltmp1:
0x92: {  	s7 =	sadd.s32 $0x1480, s3;
	[sflag:s22] =	ssyncadd.s32 $0xFFFFC000;
	(pc) =	sbr.rel @p1 .LBB2_4-.Ltmp1, $4  }
0x93: {  	[spmem:s2] =	stream.indirect.scatter.add.f32 [tilespmem:s20], [sflag:$0x3], $0x80, s7, s18, $0xb8;
	[tilespmem:$0x1E080] =	vst v63  }
0x94: {  	_ =	swait.ge [sflag:s16], $0x4000  }
0x95: {  	[sflag:s16] =	ssyncset.done $0x0  }
0x96: {  	s3 =	sadd.s32 $0x180, s3;
	[sflag:s16] =	ssyncadd.s32 $0xFFFFC000  }
0x97: {  	[tilespmem:s20], [sflag:$0x2] =	stream.indirect.gather [hbm4b:s1+s18], $0x80, s3, s18, $0xb8;
	[tilespmem:$0x1E080] =	vst v63  }
0x98: {  	_ =	swait.ge [sflag:s21], $0x4000  }
0x99: {  	[sflag:s21] =	ssyncset.done $0x0  }
0x9a: {  	[sflag:s21] =	ssyncadd.s32 $0xFFFFC000  }
0x9b: {  	[spmem:s2] =	stream.indirect.scatter.add.f32 [tilespmem:s19], [sflag:$0x3], $0x80, s23, s18, $0xb8;
	[tilespmem:$0x1E080] =	vst v63  }
0x9c: {  	_ =	swait.ge [sflag:s16], $0x4000  }
0x9d: {  	[sflag:s16] =	ssyncset.done $0x0  }
0x9e: {  	[sflag:s16] =	ssyncadd.s32 $0xFFFFC000  }
0x9f: {  	[tilespmem:s19], [sflag:$0x1] =	stream.indirect.gather [hbm4b:s1+s18], $0x80, s24, s18, $0xb8;
	[tilespmem:$0x1E080] =	vst v63  }
0xa0: {  	_ =	swait.ge [sflag:s22], $0x4000  }
0xa1: {  	[sflag:s22] =	ssyncset.done $0x0  }
0xa2: {  	[sflag:s22] =	ssyncadd.s32 $0xFFFFC000  }
0xa3: {  	[spmem:s2] =	stream.indirect.scatter.add.f32 [tilespmem:s20], [sflag:$0x3], $0x80, s25, s18, $0xb8;
	[tilespmem:$0x1E080] =	vst v63  }
0xa4: {  	_ =	swait.ge [sflag:s16], $0x4000  }
0xa5: {  	[sflag:s16] =	ssyncset.done $0x0  }
0xa6: {  	[sflag:s16] =	ssyncadd.s32 $0xFFFFC000  }
0xa7: {  	_ =	swait.ge [sflag:s21], $0x4000  }
0xa8: {  	[sflag:s21] =	ssyncset.done $0x0  }
0xa9: {  	[sflag:s21] =	ssyncadd.s32 $0xFFFFC000  }
0xaa: {  	[spmem:s2] =	stream.indirect.scatter.add.f32 [tilespmem:s19], [sflag:$0x3], $0x80, s26, s18, $0xb8;
	[tilespmem:$0x1E080] =	vst v63  }
0xab: {  	_ =	swait.ge [sflag:s16], $0x4000  }
0xac: {  	[sflag:s16] =	ssyncset.done $0x0  }
0xad: {  	[sflag:s16] =	ssyncadd.s32 $0xFFFFC000  }
0xae: {  	[tilespmem:s19], [sflag:$0x1] =	stream.indirect.gather [hbm4b:s1+s28], $0x80, s29, s28, $0xb8;
	[tilespmem:$0x1E080] =	vst v63  }
0xaf: {  	_ =	swait.ge [sflag:s21], $0x400  }
0xb0: {  	[sflag:s21] =	ssyncset.done $0x0  }
0xb1: {  	[sflag:s21] =	ssyncadd.s32 $0xFFFFFC00  }
0xb2: {  	[spmem:s2] =	stream.indirect.scatter.add.f32 [tilespmem:s19], [sflag:$0x3], $0x80, s30, s28, $0xb8;
	[tilespmem:$0x1E080] =	vst v63  }
0xb3: {  	_ =	swait.ge [sflag:s16], $0x400  }
0xb4: {  	[sflag:s16] =	ssyncset.done $0x0  }
0xb5: {  	[sflag:s16] =	ssyncadd.s32 $0xFFFFFC00  }
0xb6: {  	s0 =	simm.s32 @p0 $0x1FC3;
	[bflag:$0x0] =	sbarrier.arrive $0xFFFF  }
0xb7: {  	[hbm:s11], [sflag:s0] =	dma.local @p0 [spmem:s13], $0x2080  }
0xb8: {  	s0 =	simm.s32 @p0 $0x3  }
0xb9: {  	s31 =	sadd.s32 $0x1, s31;
	_ =	swait.ge @p0 [sflag:s0], $0x2080  }
0xba: {  	p1 =	sne.s32 s31, s12;
	[sflag:s0] =	ssyncset.done @p0 $0x0  }
.Ltmp2:
0xbb: {  	[sflag:s0] =	ssyncadd.s32 @p0 $0xFFFFDF80;
	s0 =	simm.s32 @!p0 $0x3;
	(pc) =	sbr.rel @p1 .LBB2_1-.Ltmp2, $4  }
0xbc: {  	[hbm:s10], [sflag:s14] =	dma.local @!p0 [spmem:s15], $0x2780  }
0xbd: {  	_ =	swait.ge @!p0 [sflag:s0], $0x2780  }
0xbe: {  	[sflag:s0] =	ssyncset.done @!p0 $0x0  }
0xbf: {  	[sflag:s0] =	ssyncadd.s32 @!p0 $0xFFFFD880  }
0xc0: {  	_ =	sfence.sel $0x180000  }
0xc1: {  	[bflag:$0x0] =	sbarrier.arrive $0xFFFF  }
0xc2: {  	_ =	strace $0x9000004A  }
0xc3: {  	s0 =	stileid.u32;
	[bflag:$0x2] =	sbarrier.arrive $0xFFFF  }
0xc4: {  	p0 =	sne.s32 s0, $0x0;
	s0 =	rddreg [dreg:$0x3]  }
0xc5: {  	s0 =	sadd.s32 @!p0 $0x100000, s0  }
0xc6: {  	[sflag:s0] =	ssyncadd.tile.s32 @!p0 $0x1;
	_ =	shalt  }
.Lfunc_end2:
_tile_overlayer_lowered:
.L_overlay_start_2:
0xc7: {  	(tag) =	ssettag $0x2  }
0xc8: {  	s0 =	rddreg [dreg:$0x0];
	s2 =	stileid.u32  }
0xc9: {  	s1 =	rddreg [dreg:$0x1];
	p0 =	sne.s32 s2, $0x0  }
0xca: {  	s3 =	rddreg [dreg:$0x2];
	[bflag:$0x3] =	sbarrier.arrive $0xFFFF;
	s2 =	simm.s32 @!p0 $0x1C03  }
0xcb: {  	[timem:s3], [sflag:s2] =	dma.local @!p0 [hbm:s0], s1  }
0xcc: {  	s0 =	simm.s32 @!p0 $0x3  }
0xcd: {  	_ =	swait.ge @!p0 [sflag:s0], s1  }
0xce: {  	s1 =	ssub.s32 @!p0 $0x0, s1;
	[sflag:s0] =	ssyncset.done @!p0 $0x0  }
0xcf: {  	[sflag:s0] =	ssyncadd.s32 @!p0 s1  }
0xd0: {  	[bflag:$0x3] =	sbarrier.arrive $0xFFFF  }
0xd1: {  	_ =	shalt  }

</sc_bundles>
